<compile_context>
chip_gen: v7x
topology: tpu7x:2x2x1
jax: 0.10.2.dev20260603
libtpu: 0.0.44.dev20260713+nightly
codegen_flags: <defaults>
</compile_context>

<pallas_src>
import functools

import jax
import jax.numpy as jnp
from jax import lax
from jax.experimental import pallas as pl
from jax.experimental.pallas import tpu as pltpu
from jax.experimental.pallas import tpu_sc as plsc

KSEL = 64
_ROW_BLK = 512


def _sample_body(nb, nj, w_ref, g_ref, idx_ref, acc_ref, lg_ref):
    b = pl.program_id(0)
    j = pl.program_id(1)

    @pl.when(j == 0)
    def _():
        acc_ref[...] = jnp.zeros_like(acc_ref)

    blk = w_ref[0]
    acc = acc_ref[...]
    for t in range(_ROW_BLK // 8):
        acc = acc + blk[8 * t:8 * t + 8, :]
    acc_ref[...] = acc

    @pl.when(j == nj - 1)
    def _():
        t1 = acc[0:4] + acc[4:8]
        t2 = t1[0:2] + t1[2:4]
        s = t2[0:1] + t2[1:2]
        nrows = nj * _ROW_BLK
        wm = s * jnp.float32(1.0 / nrows)
        lg_ref[pl.ds(b, 1), :] = (jnp.log(jnp.maximum(wm, jnp.float32(1e-30)))
                                  + g_ref[0])

    @pl.when((b == nb - 1) & (j == nj - 1))
    def _():
        cur = lg_ref[...]
        bsz, ssz = cur.shape
        iota = jax.lax.broadcasted_iota(jnp.int32, (bsz, ssz), 1)
        neg_inf = jnp.float32(-jnp.inf)
        for k in range(KSEL):
            m = jnp.max(cur, axis=1, keepdims=True)
            cand = jnp.where(cur == m, iota, jnp.int32(ssz))
            sel = jnp.min(cand, axis=1, keepdims=True)
            idx_ref[:, k:k + 1] = sel
            cur = jnp.where(iota == sel, neg_inf, cur)


def _sc_gather_body(dm, s, xflat_ref, idx_ref, out_ref,
                    idxrow_ref, ilist_ref, dest_ref, sem):
    info = plsc.get_sparse_core_info()
    nc = info.num_cores
    wid = lax.axis_index("s") * nc + lax.axis_index("c")
    b = wid // 2
    h = wid % 2
    hd = dm // 2

    pltpu.sync_copy(idx_ref.at[b], idxrow_ref)
    row_base = (b * dm + h * hd) * s

    def build(d, carry):
        off = row_base + d * s
        for q in range(KSEL // 16):
            kv = idxrow_ref[pl.ds(16 * q, 16)]
            ilist_ref[pl.ds(d * KSEL + 16 * q, 16)] = kv + off
        return carry

    lax.fori_loop(0, hd, build, 0)

    pltpu.async_copy(xflat_ref.at[ilist_ref], dest_ref, sem).wait()
    slab = (b * dm + h * hd) * KSEL
    pltpu.sync_copy(dest_ref, out_ref.at[pl.ds(slab, hd * KSEL)])


@jax.jit
def kernel(x, w):
    b, dm, s = x.shape
    assert w.shape == (b, s, s)
    assert s % _ROW_BLK == 0
    nj = s // _ROW_BLK

    g = jax.random.gumbel(jax.random.key(42), (b, s), dtype=jnp.float32)

    idx = pl.pallas_call(
        functools.partial(_sample_body, b, nj),
        grid=(b, nj),
        in_specs=[
            pl.BlockSpec((1, _ROW_BLK, s), lambda i, j: (i, j, 0)),
            pl.BlockSpec((1, 1, s), lambda i, j: (i, 0, 0)),
        ],
        out_specs=pl.BlockSpec((b, KSEL), lambda i, j: (0, 0)),
        out_shape=jax.ShapeDtypeStruct((b, KSEL), jnp.int32),
        scratch_shapes=[pltpu.VMEM((8, s), jnp.float32),
                        pltpu.VMEM((b, s), jnp.float32)],
        compiler_params=pltpu.CompilerParams(
            dimension_semantics=("arbitrary", "arbitrary")),
    )(w, g.reshape(b, 1, s))

    hd = dm // 2
    mesh = plsc.VectorSubcoreMesh(core_axis_name="c", subcore_axis_name="s")
    gather = functools.partial(
        pl.kernel,
        mesh=mesh,
        out_type=jax.ShapeDtypeStruct((b * dm * KSEL,), jnp.float32),
        scratch_types=[
            pltpu.VMEM((KSEL,), jnp.int32),
            pltpu.VMEM((hd * KSEL,), jnp.int32),
            pltpu.VMEM((hd * KSEL,), jnp.float32),
            pltpu.SemaphoreType.DMA,
        ],
    )(functools.partial(_sc_gather_body, dm, s))

    return gather(x.reshape(-1), idx).reshape(b, dm, KSEL)

# --- scband reference (transcript-rebuilt; emitter-appended) ---
"""Pipeline reference for scband-attn-weighted-random-kpool-66082366816343 (READ-ONLY COPY).

The authoritative reference and input builder live on the scoring server;
editing this copy changes nothing except your own understanding.
"""

import jax, jax.numpy as jnp
import numpy as np

K = 64

def setup_inputs(seed: int = 0) -> dict:
    key = jax.random.key(seed)
    kx, kw = jax.random.split(key)
    x = jax.random.normal(kx, (16, 1024, 2048), dtype=jnp.float32)
    w = jax.random.uniform(kw, (16, 2048, 2048), dtype=jnp.float32)
    return {"x": x, "w": w}

def reference(x, w):
    # w: [B, S, S] attention weights -> mean over dim=1 gives per-key sampling weights
    wm = jnp.mean(w, axis=1)  # [B, S]
    # torch.multinomial(wm, K, replacement=False) == Gumbel-top-k on log-weights
    g = jax.random.gumbel(jax.random.key(42), wm.shape, dtype=wm.dtype)
    logits = jnp.log(jnp.clip(wm, 1e-30, None)) + g
    _, idx = jax.lax.top_k(logits, K)  # [B, K] sampled indices without replacement
    # gather sampled columns: x[b, :, idx[b]] for each batch element
    out = jnp.take_along_axis(x, idx[:, None, :], axis=2)  # [B, D, K]
    return out

if __name__ == "__main__":
    import jax
    _d = setup_inputs()
    print(jax.jit(kernel)(*tuple(_d.values())))

</pallas_src>

<mosaic_0001>
#map = affine_map<(d0, d1) -> (0)>
#map1 = affine_map<(d0, d1) -> (0, 0)>
module attributes {stable_mosaic.version = 14 : i64} {
  func.func @_sc_gather_body(%arg0: i32, %arg1: i32, %arg2: memref<33554432xf32, #tpu.memory_space<hbm>>, %arg3: memref<16x64xi32, #tpu.memory_space<hbm>>, %arg4: memref<1048576xf32, #tpu.memory_space<hbm>>, %arg5: memref<64xi32, #tpu.memory_space<vmem>>, %arg6: memref<32768xi32, #tpu.memory_space<vmem>>, %arg7: memref<32768xf32, #tpu.memory_space<vmem>>, %arg8: memref<!tpu.dma_semaphore, #tpu.memory_space<semaphore_mem>>) attributes {dimension_semantics = [#tpu.dimension_semantics<core_parallel>, #tpu.dimension_semantics<subcore_parallel>], iteration_bounds = array<i64: 2, 16>, scalar_prefetch = 0 : i64, scratch_operands = 4 : i64, tpu.core_type = #tpu.core_type<sc_vector_subcore>, window_params = [{transform_indices = #map}, {transform_indices = #map1}, {transform_indices = #map}]} {
    %mul3A = arith.constant 2 : i32
    %mul3A_0 = arith.muli %arg1, %mul3A : i32
    %add3A = arith.addi %mul3A_0, %arg0 : i32
    %jit3A = arith.constant 2 : i32
    %div3A = arith.divsi %add3A, %jit3A : i32
    %sign3A = arith.constant 0 : i32
    %sign3A_1 = arith.cmpi sgt, %add3A, %sign3A : i32
    %sign3A_2 = arith.extui %sign3A_1 : i1 to i32
    %sign3A_3 = arith.constant 0 : i32
    %sign3A_4 = arith.cmpi slt, %add3A, %sign3A_3 : i32
    %sign3A_5 = arith.extui %sign3A_4 : i1 to i32
    %sign3A_6 = arith.subi %sign3A_2, %sign3A_5 : i32
    %sign3A_7 = arith.constant 0 : i32
    %sign3A_8 = arith.cmpi sgt, %jit3A, %sign3A_7 : i32
    %sign3A_9 = arith.extui %sign3A_8 : i1 to i32
    %sign3A_10 = arith.constant 0 : i32
    %sign3A_11 = arith.cmpi slt, %jit3A, %sign3A_10 : i32
    %sign3A_12 = arith.extui %sign3A_11 : i1 to i32
    %sign3A_13 = arith.subi %sign3A_9, %sign3A_12 : i32
    %ne3A = arith.cmpi ne, %sign3A_6, %sign3A_13 : i32
    %rem3A = arith.remsi %add3A, %jit3A : i32
    %ne3A_14 = arith.constant 0 : i32
    %ne3A_15 = arith.cmpi ne, %rem3A, %ne3A_14 : i32
    %and3A = arith.andi %ne3A, %ne3A_15 : i1
    %sub3A = arith.constant 1 : i32
    %sub3A_16 = arith.subi %div3A, %sub3A : i32
    %select_n3A = arith.select %and3A, %sub3A_16, %div3A : i32
    %jit3A_17 = arith.constant 2 : i32
    %eq3A = arith.constant 0 : i32
    %eq3A_18 = arith.cmpi eq, %jit3A_17, %eq3A : i32
    %jit3A_19 = arith.constant 1 : i32
    %select_n3A_20 = arith.select %eq3A_18, %jit3A_19, %jit3A_17 : i32
    %rem3A_21 = arith.remsi %add3A, %select_n3A_20 : i32
    %ne3A_22 = arith.constant 0 : i32
    %ne3A_23 = arith.cmpi ne, %rem3A_21, %ne3A_22 : i32
    %lt3A = arith.constant 0 : i32
    %lt3A_24 = arith.cmpi slt, %rem3A_21, %lt3A : i32
    %lt3A_25 = arith.constant 0 : i32
    %lt3A_26 = arith.cmpi slt, %select_n3A_20, %lt3A_25 : i32
    %ne3A_27 = arith.xori %lt3A_24, %lt3A_26 : i1
    %and3A_28 = arith.andi %ne3A_27, %ne3A_23 : i1
    %add3A_29 = arith.addi %rem3A_21, %select_n3A_20 : i32
    %select_n3A_30 = arith.select %and3A_28, %add3A_29, %rem3A_21 : i32
    "tpu.region"() ({
      %run_scoped3A = tpu.sem_alloc : memref<!tpu.dma_semaphore, #tpu.memory_space<semaphore_mem>>
      %dma_start3A_52 = arith.constant 0 : i32
      %dma_start3A_53 = tpu.memref_slice %arg3[%select_n3A, %dma_start3A_52] : memref<16x64xi32, #tpu.memory_space<hbm>> -> memref<1x64xi32, #tpu.memory_space<hbm>>
      %dma_start3A_54 = tpu.memref_squeeze %dma_start3A_53 : memref<1x64xi32, #tpu.memory_space<hbm>> -> memref<64xi32, #tpu.memory_space<hbm>>
      %dma_start3A_55 = arith.constant 0 : i32
      %dma_start3A_56 = tpu.memref_slice %arg3[%select_n3A, %dma_start3A_55] : memref<16x64xi32, #tpu.memory_space<hbm>> -> memref<1x64xi32, #tpu.memory_space<hbm>>
      %dma_start3A_57 = tpu.memref_squeeze %dma_start3A_56 : memref<1x64xi32, #tpu.memory_space<hbm>> -> memref<64xi32, #tpu.memory_space<hbm>>
      tpu.enqueue_dma source(%dma_start3A_57 : memref<64xi32, #tpu.memory_space<hbm>>) target(%arg5 : memref<64xi32, #tpu.memory_space<vmem>>) target_semaphore(%run_scoped3A : memref<!tpu.dma_semaphore, #tpu.memory_space<semaphore_mem>>)
      %dma_wait3A_58 = arith.constant 0 : i32
      %dma_wait3A_59 = tpu.memref_slice %arg3[%select_n3A, %dma_wait3A_58] : memref<16x64xi32, #tpu.memory_space<hbm>> -> memref<1x64xi32, #tpu.memory_space<hbm>>
      %dma_wait3A_60 = tpu.memref_squeeze %dma_wait3A_59 : memref<1x64xi32, #tpu.memory_space<hbm>> -> memref<64xi32, #tpu.memory_space<hbm>>
      %dma_wait3A_61 = arith.constant 0 : i32
      %dma_wait3A_62 = tpu.memref_slice %arg3[%select_n3A, %dma_wait3A_61] : memref<16x64xi32, #tpu.memory_space<hbm>> -> memref<1x64xi32, #tpu.memory_space<hbm>>
      %dma_wait3A_63 = tpu.memref_squeeze %dma_wait3A_62 : memref<1x64xi32, #tpu.memory_space<hbm>> -> memref<64xi32, #tpu.memory_space<hbm>>
      tpu.wait_dma2 semaphore(%run_scoped3A : memref<!tpu.dma_semaphore, #tpu.memory_space<semaphore_mem>>) src(%dma_wait3A_63 : memref<64xi32, #tpu.memory_space<hbm>>) dst(%arg5 : memref<64xi32, #tpu.memory_space<vmem>>)
      tpu.yield
    }) : () -> ()
    %mul3A_31 = arith.constant 1024 : i32
    %mul3A_32 = arith.muli %select_n3A, %mul3A_31 : i32
    %mul3A_33 = arith.constant 512 : i32
    %mul3A_34 = arith.muli %select_n3A_30, %mul3A_33 : i32
    %add3A_35 = arith.addi %mul3A_32, %mul3A_34 : i32
    %mul3A_36 = arith.constant 2048 : i32
    %mul3A_37 = arith.muli %add3A_35, %mul3A_36 : i32
    %scan3A = arith.constant 0 : i32
    %scan3A_38 = arith.constant 0 : i32
    %scan3A_39 = arith.constant 512 : i32
    %scan3A_40 = arith.addi %scan3A_38, %scan3A_39 : i32
    %scan3A_41 = arith.constant 1 : i32
    scf.for %scan3A_52 = %scan3A_38 to %scan3A_40 step %scan3A_41  : i32 {
      %mul3A_53 = arith.constant 2048 : i32
      %mul3A_54 = arith.muli %scan3A_52, %mul3A_53 : i32
      %add3A_55 = arith.addi %mul3A_37, %mul3A_54 : i32
      %get3A = arith.constant 0 : index
      %get3A_56 = tpu.vector_load %arg5[%get3A] {strides = array<i32>} : memref<64xi32, #tpu.memory_space<vmem>>, vector<16xi32>,
      %get3A_57 = vector.shape_cast %get3A_56 : vector<16xi32> to vector<16xi32>
      %add3A_58 = vector.broadcast %add3A_55 : i32 to vector<16xi32>
      %add3A_59 = arith.addi %get3A_57, %add3A_58 : vector<16xi32>
      %mul3A_60 = arith.constant 64 : i32
      %mul3A_61 = arith.muli %scan3A_52, %mul3A_60 : i32
      %add3A_62 = arith.constant 0 : i32
      %add3A_63 = arith.addi %mul3A_61, %add3A_62 : i32
      %swap3A = arith.index_cast %add3A_63 : i32 to index
      %swap3A_64 = tpu.vector_load %arg6[%swap3A] {strides = array<i32>} : memref<32768xi32, #tpu.memory_space<vmem>>, vector<16xi32>,
      %swap3A_65 = vector.shape_cast %swap3A_64 : vector<16xi32> to vector<16xi32>
      %swap3A_66 = vector.shape_cast %add3A_59 : vector<16xi32> to vector<16xi32>
      tpu.vector_store %arg6[%swap3A], %swap3A_66 {strides = array<i32>} : memref<32768xi32, #tpu.memory_space<vmem>>, vector<16xi32>,
      %get3A_67 = arith.constant 16 : index
      %get3A_68 = tpu.vector_load %arg5[%get3A_67] {strides = array<i32>} : memref<64xi32, #tpu.memory_space<vmem>>, vector<16xi32>,
      %get3A_69 = vector.shape_cast %get3A_68 : vector<16xi32> to vector<16xi32>
      %add3A_70 = vector.broadcast %add3A_55 : i32 to vector<16xi32>
      %add3A_71 = arith.addi %get3A_69, %add3A_70 : vector<16xi32>
      %mul3A_72 = arith.constant 64 : i32
      %mul3A_73 = arith.muli %scan3A_52, %mul3A_72 : i32
      %add3A_74 = arith.constant 16 : i32
      %add3A_75 = arith.addi %mul3A_73, %add3A_74 : i32
      %swap3A_76 = arith.index_cast %add3A_75 : i32 to index
      %swap3A_77 = tpu.vector_load %arg6[%swap3A_76] {strides = array<i32>} : memref<32768xi32, #tpu.memory_space<vmem>>, vector<16xi32>,
      %swap3A_78 = vector.shape_cast %swap3A_77 : vector<16xi32> to vector<16xi32>
      %swap3A_79 = vector.shape_cast %add3A_71 : vector<16xi32> to vector<16xi32>
      tpu.vector_store %arg6[%swap3A_76], %swap3A_79 {strides = array<i32>} : memref<32768xi32, #tpu.memory_space<vmem>>, vector<16xi32>,
      %get3A_80 = arith.constant 32 : index
      %get3A_81 = tpu.vector_load %arg5[%get3A_80] {strides = array<i32>} : memref<64xi32, #tpu.memory_space<vmem>>, vector<16xi32>,
      %get3A_82 = vector.shape_cast %get3A_81 : vector<16xi32> to vector<16xi32>
      %add3A_83 = vector.broadcast %add3A_55 : i32 to vector<16xi32>
      %add3A_84 = arith.addi %get3A_82, %add3A_83 : vector<16xi32>
      %mul3A_85 = arith.constant 64 : i32
      %mul3A_86 = arith.muli %scan3A_52, %mul3A_85 : i32
      %add3A_87 = arith.constant 32 : i32
      %add3A_88 = arith.addi %mul3A_86, %add3A_87 : i32
      %swap3A_89 = arith.index_cast %add3A_88 : i32 to index
      %swap3A_90 = tpu.vector_load %arg6[%swap3A_89] {strides = array<i32>} : memref<32768xi32, #tpu.memory_space<vmem>>, vector<16xi32>,
      %swap3A_91 = vector.shape_cast %swap3A_90 : vector<16xi32> to vector<16xi32>
      %swap3A_92 = vector.shape_cast %add3A_84 : vector<16xi32> to vector<16xi32>
      tpu.vector_store %arg6[%swap3A_89], %swap3A_92 {strides = array<i32>} : memref<32768xi32, #tpu.memory_space<vmem>>, vector<16xi32>,
      %get3A_93 = arith.constant 48 : index
      %get3A_94 = tpu.vector_load %arg5[%get3A_93] {strides = array<i32>} : memref<64xi32, #tpu.memory_space<vmem>>, vector<16xi32>,
      %get3A_95 = vector.shape_cast %get3A_94 : vector<16xi32> to vector<16xi32>
      %add3A_96 = vector.broadcast %add3A_55 : i32 to vector<16xi32>
      %add3A_97 = arith.addi %get3A_95, %add3A_96 : vector<16xi32>
      %mul3A_98 = arith.constant 64 : i32
      %mul3A_99 = arith.muli %scan3A_52, %mul3A_98 : i32
      %add3A_100 = arith.constant 48 : i32
      %add3A_101 = arith.addi %mul3A_99, %add3A_100 : i32
      %swap3A_102 = arith.index_cast %add3A_101 : i32 to index
      %swap3A_103 = tpu.vector_load %arg6[%swap3A_102] {strides = array<i32>} : memref<32768xi32, #tpu.memory_space<vmem>>, vector<16xi32>,
      %swap3A_104 = vector.shape_cast %swap3A_103 : vector<16xi32> to vector<16xi32>
      %swap3A_105 = vector.shape_cast %add3A_97 : vector<16xi32> to vector<16xi32>
      tpu.vector_store %arg6[%swap3A_102], %swap3A_105 {strides = array<i32>} : memref<32768xi32, #tpu.memory_space<vmem>>, vector<16xi32>,
    }
    %scan3A_42 = arith.constant 512 : i32
    %dma_start3A = arith.constant 0 : i32
    %dma_start3A_43 = tpu.memref_slice %arg2[%dma_start3A] : memref<33554432xf32, #tpu.memory_space<hbm>> -> memref<33554432xf32, #tpu.memory_space<hbm>>
    tpu.enqueue_indirect_dma source(%dma_start3A_43 : memref<33554432xf32, #tpu.memory_space<hbm>>) target(%arg7 : memref<32768xf32, #tpu.memory_space<vmem>>) offsets(%arg6 : memref<32768xi32, #tpu.memory_space<vmem>>) semaphore(%arg8 : memref<!tpu.dma_semaphore, #tpu.memory_space<semaphore_mem>>)
    %dma_wait3A = arith.constant 0 : i32
    %dma_wait3A_44 = tpu.memref_slice %arg2[%dma_wait3A] : memref<33554432xf32, #tpu.memory_space<hbm>> -> memref<33554432xf32, #tpu.memory_space<hbm>>
    tpu.wait_indirect_dma semaphore(%arg8 : memref<!tpu.dma_semaphore, #tpu.memory_space<semaphore_mem>>) src(%dma_wait3A_44 : memref<33554432xf32, #tpu.memory_space<hbm>>) dst(%arg7 : memref<32768xf32, #tpu.memory_space<vmem>>)
    %mul3A_45 = arith.constant 1024 : i32
    %mul3A_46 = arith.muli %select_n3A, %mul3A_45 : i32
    %mul3A_47 = arith.constant 512 : i32
    %mul3A_48 = arith.muli %select_n3A_30, %mul3A_47 : i32
    %add3A_49 = arith.addi %mul3A_46, %mul3A_48 : i32
    %mul3A_50 = arith.constant 64 : i32
    %mul3A_51 = arith.muli %add3A_49, %mul3A_50 : i32
    "tpu.region"() ({
      %run_scoped3A = tpu.sem_alloc : memref<!tpu.dma_semaphore, #tpu.memory_space<semaphore_mem>>
      %dma_start3A_52 = tpu.memref_slice %arg4[%mul3A_51] : memref<1048576xf32, #tpu.memory_space<hbm>> -> memref<32768xf32, #tpu.memory_space<hbm>>
      %dma_start3A_53 = tpu.memref_slice %arg4[%mul3A_51] : memref<1048576xf32, #tpu.memory_space<hbm>> -> memref<32768xf32, #tpu.memory_space<hbm>>
      tpu.enqueue_dma source(%arg7 : memref<32768xf32, #tpu.memory_space<vmem>>) target(%dma_start3A_53 : memref<32768xf32, #tpu.memory_space<hbm>>) target_semaphore(%run_scoped3A : memref<!tpu.dma_semaphore, #tpu.memory_space<semaphore_mem>>)
      %dma_wait3A_54 = tpu.memref_slice %arg4[%mul3A_51] : memref<1048576xf32, #tpu.memory_space<hbm>> -> memref<32768xf32, #tpu.memory_space<hbm>>
      %dma_wait3A_55 = tpu.memref_slice %arg4[%mul3A_51] : memref<1048576xf32, #tpu.memory_space<hbm>> -> memref<32768xf32, #tpu.memory_space<hbm>>
      tpu.wait_dma2 semaphore(%run_scoped3A : memref<!tpu.dma_semaphore, #tpu.memory_space<semaphore_mem>>) src(%arg7 : memref<32768xf32, #tpu.memory_space<vmem>>) dst(%dma_wait3A_55 : memref<32768xf32, #tpu.memory_space<hbm>>)
      tpu.yield
    }) : () -> ()
    return
  }
}

module attributes {stable_mosaic.version = 14 : i64} {
  func.func @_sample_body(%arg0: i32, %arg1: i32, %arg2: memref<1x512x2048xf32, #tpu.memory_space<vmem>>, %arg3: memref<1x1x2048xf32, #tpu.memory_space<vmem>>, %arg4: memref<16x64xi32, #tpu.memory_space<vmem>>, %arg5: memref<8x2048xf32, #tpu.memory_space<vmem>>, %arg6: memref<16x2048xf32, #tpu.memory_space<vmem>>) attributes {dimension_semantics = [#tpu.dimension_semantics<arbitrary>, #tpu.dimension_semantics<arbitrary>], iteration_bounds = array<i64: 16, 4>, scalar_prefetch = 0 : i64, scratch_operands = 2 : i64, tpu.core_type = #tpu.core_type<tc>, window_params = [{transform_indices = @transform_0, window_bounds = array<i64: 1, 512, 2048>}, {transform_indices = @transform_1, window_bounds = array<i64: 1, 1, 2048>}, {pipeline_mode = #tpu.pipeline_mode<synchronous>, transform_indices = @transform_2, window_bounds = array<i64: 16, 64>}]} {
    %eq3A = arith.constant 0 : i32
    %eq3A_0 = arith.cmpi eq, %arg1, %eq3A : i32
    %convert_element_type3A = arith.extui %eq3A_0 : i1 to i32
    %cond3A = arith.constant 0 : i32
    %cond3A_1 = arith.cmpi ne, %convert_element_type3A, %cond3A : i32
    scf.if %cond3A_1 {
      %broadcast_in_dim3A = arith.constant 0.000000e+00 : f32
      %broadcast_in_dim3A_149 = vector.broadcast %broadcast_in_dim3A : f32 to vector<8x2048xf32>
      %swap3A_150 = arith.constant 0 : index
      %swap3A_151 = arith.constant 0 : index
      %swap3A_152 = vector.load %arg5[%swap3A_150, %swap3A_151] : memref<8x2048xf32, #tpu.memory_space<vmem>>, vector<8x2048xf32>
      tpu.vector_store %arg5[%swap3A_150, %swap3A_151], %broadcast_in_dim3A_149 {strides = array<i32>} : memref<8x2048xf32, #tpu.memory_space<vmem>>, vector<8x2048xf32>,
    } else {
    }
    %get3A = arith.constant 0 : index
    %get3A_2 = arith.constant 0 : index
    %get3A_3 = arith.constant 0 : index
    %get3A_4 = vector.load %arg2[%get3A, %get3A_2, %get3A_3] : memref<1x512x2048xf32, #tpu.memory_space<vmem>>, vector<1x512x2048xf32>
    %get3A_5 = vector.shape_cast %get3A_4 : vector<1x512x2048xf32> to vector<512x2048xf32>
    %get3A_6 = arith.constant 0 : index
    %get3A_7 = arith.constant 0 : index
    %get3A_8 = vector.load %arg5[%get3A_6, %get3A_7] : memref<8x2048xf32, #tpu.memory_space<vmem>>, vector<8x2048xf32>
    %slice3A = vector.extract_strided_slice %get3A_5 {offsets = [0, 0], sizes = [8, 2048], strides = [1, 1]} : vector<512x2048xf32> to vector<8x2048xf32>
    %add3A = arith.addf %get3A_8, %slice3A : vector<8x2048xf32>
    %slice3A_9 = vector.extract_strided_slice %get3A_5 {offsets = [8, 0], sizes = [8, 2048], strides = [1, 1]} : vector<512x2048xf32> to vector<8x2048xf32>
    %add3A_10 = arith.addf %add3A, %slice3A_9 : vector<8x2048xf32>
    %slice3A_11 = vector.extract_strided_slice %get3A_5 {offsets = [16, 0], sizes = [8, 2048], strides = [1, 1]} : vector<512x2048xf32> to vector<8x2048xf32>
    %add3A_12 = arith.addf %add3A_10, %slice3A_11 : vector<8x2048xf32>
    %slice3A_13 = vector.extract_strided_slice %get3A_5 {offsets = [24, 0], sizes = [8, 2048], strides = [1, 1]} : vector<512x2048xf32> to vector<8x2048xf32>
    %add3A_14 = arith.addf %add3A_12, %slice3A_13 : vector<8x2048xf32>
    %slice3A_15 = vector.extract_strided_slice %get3A_5 {offsets = [32, 0], sizes = [8, 2048], strides = [1, 1]} : vector<512x2048xf32> to vector<8x2048xf32>
    %add3A_16 = arith.addf %add3A_14, %slice3A_15 : vector<8x2048xf32>
    %slice3A_17 = vector.extract_strided_slice %get3A_5 {offsets = [40, 0], sizes = [8, 2048], strides = [1, 1]} : vector<512x2048xf32> to vector<8x2048xf32>
    %add3A_18 = arith.addf %add3A_16, %slice3A_17 : vector<8x2048xf32>
    %slice3A_19 = vector.extract_strided_slice %get3A_5 {offsets = [48, 0], sizes = [8, 2048], strides = [1, 1]} : vector<512x2048xf32> to vector<8x2048xf32>
    %add3A_20 = arith.addf %add3A_18, %slice3A_19 : vector<8x2048xf32>
    %slice3A_21 = vector.extract_strided_slice %get3A_5 {offsets = [56, 0], sizes = [8, 2048], strides = [1, 1]} : vector<512x2048xf32> to vector<8x2048xf32>
    %add3A_22 = arith.addf %add3A_20, %slice3A_21 : vector<8x2048xf32>
    %slice3A_23 = vector.extract_strided_slice %get3A_5 {offsets = [64, 0], sizes = [8, 2048], strides = [1, 1]} : vector<512x2048xf32> to vector<8x2048xf32>
    %add3A_24 = arith.addf %add3A_22, %slice3A_23 : vector<8x2048xf32>
    %slice3A_25 = vector.extract_strided_slice %get3A_5 {offsets = [72, 0], sizes = [8, 2048], strides = [1, 1]} : vector<512x2048xf32> to vector<8x2048xf32>
    %add3A_26 = arith.addf %add3A_24, %slice3A_25 : vector<8x2048xf32>
    %slice3A_27 = vector.extract_strided_slice %get3A_5 {offsets = [80, 0], sizes = [8, 2048], strides = [1, 1]} : vector<512x2048xf32> to vector<8x2048xf32>
    %add3A_28 = arith.addf %add3A_26, %slice3A_27 : vector<8x2048xf32>
    %slice3A_29 = vector.extract_strided_slice %get3A_5 {offsets = [88, 0], sizes = [8, 2048], strides = [1, 1]} : vector<512x2048xf32> to vector<8x2048xf32>
    %add3A_30 = arith.addf %add3A_28, %slice3A_29 : vector<8x2048xf32>
    %slice3A_31 = vector.extract_strided_slice %get3A_5 {offsets = [96, 0], sizes = [8, 2048], strides = [1, 1]} : vector<512x2048xf32> to vector<8x2048xf32>
    %add3A_32 = arith.addf %add3A_30, %slice3A_31 : vector<8x2048xf32>
    %slice3A_33 = vector.extract_strided_slice %get3A_5 {offsets = [104, 0], sizes = [8, 2048], strides = [1, 1]} : vector<512x2048xf32> to vector<8x2048xf32>
    %add3A_34 = arith.addf %add3A_32, %slice3A_33 : vector<8x2048xf32>
    %slice3A_35 = vector.extract_strided_slice %get3A_5 {offsets = [112, 0], sizes = [8, 2048], strides = [1, 1]} : vector<512x2048xf32> to vector<8x2048xf32>
    %add3A_36 = arith.addf %add3A_34, %slice3A_35 : vector<8x2048xf32>
    %slice3A_37 = vector.extract_strided_slice %get3A_5 {offsets = [120, 0], sizes = [8, 2048], strides = [1, 1]} : vector<512x2048xf32> to vector<8x2048xf32>
    %add3A_38 = arith.addf %add3A_36, %slice3A_37 : vector<8x2048xf32>
    %slice3A_39 = vector.extract_strided_slice %get3A_5 {offsets = [128, 0], sizes = [8, 2048], strides = [1, 1]} : vector<512x2048xf32> to vector<8x2048xf32>
    %add3A_40 = arith.addf %add3A_38, %slice3A_39 : vector<8x2048xf32>
    %slice3A_41 = vector.extract_strided_slice %get3A_5 {offsets = [136, 0], sizes = [8, 2048], strides = [1, 1]} : vector<512x2048xf32> to vector<8x2048xf32>
    %add3A_42 = arith.addf %add3A_40, %slice3A_41 : vector<8x2048xf32>
    %slice3A_43 = vector.extract_strided_slice %get3A_5 {offsets = [144, 0], sizes = [8, 2048], strides = [1, 1]} : vector<512x2048xf32> to vector<8x2048xf32>
    %add3A_44 = arith.addf %add3A_42, %slice3A_43 : vector<8x2048xf32>
    %slice3A_45 = vector.extract_strided_slice %get3A_5 {offsets = [152, 0], sizes = [8, 2048], strides = [1, 1]} : vector<512x2048xf32> to vector<8x2048xf32>
    %add3A_46 = arith.addf %add3A_44, %slice3A_45 : vector<8x2048xf32>
    %slice3A_47 = vector.extract_strided_slice %get3A_5 {offsets = [160, 0], sizes = [8, 2048], strides = [1, 1]} : vector<512x2048xf32> to vector<8x2048xf32>
    %add3A_48 = arith.addf %add3A_46, %slice3A_47 : vector<8x2048xf32>
    %slice3A_49 = vector.extract_strided_slice %get3A_5 {offsets = [168, 0], sizes = [8, 2048], strides = [1, 1]} : vector<512x2048xf32> to vector<8x2048xf32>
    %add3A_50 = arith.addf %add3A_48, %slice3A_49 : vector<8x2048xf32>
    %slice3A_51 = vector.extract_strided_slice %get3A_5 {offsets = [176, 0], sizes = [8, 2048], strides = [1, 1]} : vector<512x2048xf32> to vector<8x2048xf32>
    %add3A_52 = arith.addf %add3A_50, %slice3A_51 : vector<8x2048xf32>
    %slice3A_53 = vector.extract_strided_slice %get3A_5 {offsets = [184, 0], sizes = [8, 2048], strides = [1, 1]} : vector<512x2048xf32> to vector<8x2048xf32>
    %add3A_54 = arith.addf %add3A_52, %slice3A_53 : vector<8x2048xf32>
    %slice3A_55 = vector.extract_strided_slice %get3A_5 {offsets = [192, 0], sizes = [8, 2048], strides = [1, 1]} : vector<512x2048xf32> to vector<8x2048xf32>
    %add3A_56 = arith.addf %add3A_54, %slice3A_55 : vector<8x2048xf32>
    %slice3A_57 = vector.extract_strided_slice %get3A_5 {offsets = [200, 0], sizes = [8, 2048], strides = [1, 1]} : vector<512x2048xf32> to vector<8x2048xf32>
    %add3A_58 = arith.addf %add3A_56, %slice3A_57 : vector<8x2048xf32>
    %slice3A_59 = vector.extract_strided_slice %get3A_5 {offsets = [208, 0], sizes = [8, 2048], strides = [1, 1]} : vector<512x2048xf32> to vector<8x2048xf32>
    %add3A_60 = arith.addf %add3A_58, %slice3A_59 : vector<8x2048xf32>
    %slice3A_61 = vector.extract_strided_slice %get3A_5 {offsets = [216, 0], sizes = [8, 2048], strides = [1, 1]} : vector<512x2048xf32> to vector<8x2048xf32>
    %add3A_62 = arith.addf %add3A_60, %slice3A_61 : vector<8x2048xf32>
    %slice3A_63 = vector.extract_strided_slice %get3A_5 {offsets = [224, 0], sizes = [8, 2048], strides = [1, 1]} : vector<512x2048xf32> to vector<8x2048xf32>
    %add3A_64 = arith.addf %add3A_62, %slice3A_63 : vector<8x2048xf32>
    %slice3A_65 = vector.extract_strided_slice %get3A_5 {offsets = [232, 0], sizes = [8, 2048], strides = [1, 1]} : vector<512x2048xf32> to vector<8x2048xf32>
    %add3A_66 = arith.addf %add3A_64, %slice3A_65 : vector<8x2048xf32>
    %slice3A_67 = vector.extract_strided_slice %get3A_5 {offsets = [240, 0], sizes = [8, 2048], strides = [1, 1]} : vector<512x2048xf32> to vector<8x2048xf32>
    %add3A_68 = arith.addf %add3A_66, %slice3A_67 : vector<8x2048xf32>
    %slice3A_69 = vector.extract_strided_slice %get3A_5 {offsets = [248, 0], sizes = [8, 2048], strides = [1, 1]} : vector<512x2048xf32> to vector<8x2048xf32>
    %add3A_70 = arith.addf %add3A_68, %slice3A_69 : vector<8x2048xf32>
    %slice3A_71 = vector.extract_strided_slice %get3A_5 {offsets = [256, 0], sizes = [8, 2048], strides = [1, 1]} : vector<512x2048xf32> to vector<8x2048xf32>
    %add3A_72 = arith.addf %add3A_70, %slice3A_71 : vector<8x2048xf32>
    %slice3A_73 = vector.extract_strided_slice %get3A_5 {offsets = [264, 0], sizes = [8, 2048], strides = [1, 1]} : vector<512x2048xf32> to vector<8x2048xf32>
    %add3A_74 = arith.addf %add3A_72, %slice3A_73 : vector<8x2048xf32>
    %slice3A_75 = vector.extract_strided_slice %get3A_5 {offsets = [272, 0], sizes = [8, 2048], strides = [1, 1]} : vector<512x2048xf32> to vector<8x2048xf32>
    %add3A_76 = arith.addf %add3A_74, %slice3A_75 : vector<8x2048xf32>
    %slice3A_77 = vector.extract_strided_slice %get3A_5 {offsets = [280, 0], sizes = [8, 2048], strides = [1, 1]} : vector<512x2048xf32> to vector<8x2048xf32>
    %add3A_78 = arith.addf %add3A_76, %slice3A_77 : vector<8x2048xf32>
    %slice3A_79 = vector.extract_strided_slice %get3A_5 {offsets = [288, 0], sizes = [8, 2048], strides = [1, 1]} : vector<512x2048xf32> to vector<8x2048xf32>
    %add3A_80 = arith.addf %add3A_78, %slice3A_79 : vector<8x2048xf32>
    %slice3A_81 = vector.extract_strided_slice %get3A_5 {offsets = [296, 0], sizes = [8, 2048], strides = [1, 1]} : vector<512x2048xf32> to vector<8x2048xf32>
    %add3A_82 = arith.addf %add3A_80, %slice3A_81 : vector<8x2048xf32>
    %slice3A_83 = vector.extract_strided_slice %get3A_5 {offsets = [304, 0], sizes = [8, 2048], strides = [1, 1]} : vector<512x2048xf32> to vector<8x2048xf32>
    %add3A_84 = arith.addf %add3A_82, %slice3A_83 : vector<8x2048xf32>
    %slice3A_85 = vector.extract_strided_slice %get3A_5 {offsets = [312, 0], sizes = [8, 2048], strides = [1, 1]} : vector<512x2048xf32> to vector<8x2048xf32>
    %add3A_86 = arith.addf %add3A_84, %slice3A_85 : vector<8x2048xf32>
    %slice3A_87 = vector.extract_strided_slice %get3A_5 {offsets = [320, 0], sizes = [8, 2048], strides = [1, 1]} : vector<512x2048xf32> to vector<8x2048xf32>
    %add3A_88 = arith.addf %add3A_86, %slice3A_87 : vector<8x2048xf32>
    %slice3A_89 = vector.extract_strided_slice %get3A_5 {offsets = [328, 0], sizes = [8, 2048], strides = [1, 1]} : vector<512x2048xf32> to vector<8x2048xf32>
    %add3A_90 = arith.addf %add3A_88, %slice3A_89 : vector<8x2048xf32>
    %slice3A_91 = vector.extract_strided_slice %get3A_5 {offsets = [336, 0], sizes = [8, 2048], strides = [1, 1]} : vector<512x2048xf32> to vector<8x2048xf32>
    %add3A_92 = arith.addf %add3A_90, %slice3A_91 : vector<8x2048xf32>
    %slice3A_93 = vector.extract_strided_slice %get3A_5 {offsets = [344, 0], sizes = [8, 2048], strides = [1, 1]} : vector<512x2048xf32> to vector<8x2048xf32>
    %add3A_94 = arith.addf %add3A_92, %slice3A_93 : vector<8x2048xf32>
    %slice3A_95 = vector.extract_strided_slice %get3A_5 {offsets = [352, 0], sizes = [8, 2048], strides = [1, 1]} : vector<512x2048xf32> to vector<8x2048xf32>
    %add3A_96 = arith.addf %add3A_94, %slice3A_95 : vector<8x2048xf32>
    %slice3A_97 = vector.extract_strided_slice %get3A_5 {offsets = [360, 0], sizes = [8, 2048], strides = [1, 1]} : vector<512x2048xf32> to vector<8x2048xf32>
    %add3A_98 = arith.addf %add3A_96, %slice3A_97 : vector<8x2048xf32>
    %slice3A_99 = vector.extract_strided_slice %get3A_5 {offsets = [368, 0], sizes = [8, 2048], strides = [1, 1]} : vector<512x2048xf32> to vector<8x2048xf32>
    %add3A_100 = arith.addf %add3A_98, %slice3A_99 : vector<8x2048xf32>
    %slice3A_101 = vector.extract_strided_slice %get3A_5 {offsets = [376, 0], sizes = [8, 2048], strides = [1, 1]} : vector<512x2048xf32> to vector<8x2048xf32>
    %add3A_102 = arith.addf %add3A_100, %slice3A_101 : vector<8x2048xf32>
    %slice3A_103 = vector.extract_strided_slice %get3A_5 {offsets = [384, 0], sizes = [8, 2048], strides = [1, 1]} : vector<512x2048xf32> to vector<8x2048xf32>
    %add3A_104 = arith.addf %add3A_102, %slice3A_103 : vector<8x2048xf32>
    %slice3A_105 = vector.extract_strided_slice %get3A_5 {offsets = [392, 0], sizes = [8, 2048], strides = [1, 1]} : vector<512x2048xf32> to vector<8x2048xf32>
    %add3A_106 = arith.addf %add3A_104, %slice3A_105 : vector<8x2048xf32>
    %slice3A_107 = vector.extract_strided_slice %get3A_5 {offsets = [400, 0], sizes = [8, 2048], strides = [1, 1]} : vector<512x2048xf32> to vector<8x2048xf32>
    %add3A_108 = arith.addf %add3A_106, %slice3A_107 : vector<8x2048xf32>
    %slice3A_109 = vector.extract_strided_slice %get3A_5 {offsets = [408, 0], sizes = [8, 2048], strides = [1, 1]} : vector<512x2048xf32> to vector<8x2048xf32>
    %add3A_110 = arith.addf %add3A_108, %slice3A_109 : vector<8x2048xf32>
    %slice3A_111 = vector.extract_strided_slice %get3A_5 {offsets = [416, 0], sizes = [8, 2048], strides = [1, 1]} : vector<512x2048xf32> to vector<8x2048xf32>
    %add3A_112 = arith.addf %add3A_110, %slice3A_111 : vector<8x2048xf32>
    %slice3A_113 = vector.extract_strided_slice %get3A_5 {offsets = [424, 0], sizes = [8, 2048], strides = [1, 1]} : vector<512x2048xf32> to vector<8x2048xf32>
    %add3A_114 = arith.addf %add3A_112, %slice3A_113 : vector<8x2048xf32>
    %slice3A_115 = vector.extract_strided_slice %get3A_5 {offsets = [432, 0], sizes = [8, 2048], strides = [1, 1]} : vector<512x2048xf32> to vector<8x2048xf32>
    %add3A_116 = arith.addf %add3A_114, %slice3A_115 : vector<8x2048xf32>
    %slice3A_117 = vector.extract_strided_slice %get3A_5 {offsets = [440, 0], sizes = [8, 2048], strides = [1, 1]} : vector<512x2048xf32> to vector<8x2048xf32>
    %add3A_118 = arith.addf %add3A_116, %slice3A_117 : vector<8x2048xf32>
    %slice3A_119 = vector.extract_strided_slice %get3A_5 {offsets = [448, 0], sizes = [8, 2048], strides = [1, 1]} : vector<512x2048xf32> to vector<8x2048xf32>
    %add3A_120 = arith.addf %add3A_118, %slice3A_119 : vector<8x2048xf32>
    %slice3A_121 = vector.extract_strided_slice %get3A_5 {offsets = [456, 0], sizes = [8, 2048], strides = [1, 1]} : vector<512x2048xf32> to vector<8x2048xf32>
    %add3A_122 = arith.addf %add3A_120, %slice3A_121 : vector<8x2048xf32>
    %slice3A_123 = vector.extract_strided_slice %get3A_5 {offsets = [464, 0], sizes = [8, 2048], strides = [1, 1]} : vector<512x2048xf32> to vector<8x2048xf32>
    %add3A_124 = arith.addf %add3A_122, %slice3A_123 : vector<8x2048xf32>
    %slice3A_125 = vector.extract_strided_slice %get3A_5 {offsets = [472, 0], sizes = [8, 2048], strides = [1, 1]} : vector<512x2048xf32> to vector<8x2048xf32>
    %add3A_126 = arith.addf %add3A_124, %slice3A_125 : vector<8x2048xf32>
    %slice3A_127 = vector.extract_strided_slice %get3A_5 {offsets = [480, 0], sizes = [8, 2048], strides = [1, 1]} : vector<512x2048xf32> to vector<8x2048xf32>
    %add3A_128 = arith.addf %add3A_126, %slice3A_127 : vector<8x2048xf32>
    %slice3A_129 = vector.extract_strided_slice %get3A_5 {offsets = [488, 0], sizes = [8, 2048], strides = [1, 1]} : vector<512x2048xf32> to vector<8x2048xf32>
    %add3A_130 = arith.addf %add3A_128, %slice3A_129 : vector<8x2048xf32>
    %slice3A_131 = vector.extract_strided_slice %get3A_5 {offsets = [496, 0], sizes = [8, 2048], strides = [1, 1]} : vector<512x2048xf32> to vector<8x2048xf32>
    %add3A_132 = arith.addf %add3A_130, %slice3A_131 : vector<8x2048xf32>
    %slice3A_133 = vector.extract_strided_slice %get3A_5 {offsets = [504, 0], sizes = [8, 2048], strides = [1, 1]} : vector<512x2048xf32> to vector<8x2048xf32>
    %add3A_134 = arith.addf %add3A_132, %slice3A_133 : vector<8x2048xf32>
    %swap3A = arith.constant 0 : index
    %swap3A_135 = arith.constant 0 : index
    %swap3A_136 = vector.load %arg5[%swap3A, %swap3A_135] : memref<8x2048xf32, #tpu.memory_space<vmem>>, vector<8x2048xf32>
    tpu.vector_store %arg5[%swap3A, %swap3A_135], %add3A_134 {strides = array<i32>} : memref<8x2048xf32, #tpu.memory_space<vmem>>, vector<8x2048xf32>,
    %eq3A_137 = arith.constant 3 : i32
    %eq3A_138 = arith.cmpi eq, %arg1, %eq3A_137 : i32
    %convert_element_type3A_139 = arith.extui %eq3A_138 : i1 to i32
    %cond3A_140 = arith.constant 0 : i32
    %cond3A_141 = arith.cmpi ne, %convert_element_type3A_139, %cond3A_140 : i32
    scf.if %cond3A_141 {
      %slice3A_149 = vector.extract_strided_slice %add3A_134 {offsets = [0, 0], sizes = [4, 2048], strides = [1, 1]} : vector<8x2048xf32> to vector<4x2048xf32>
      %slice3A_150 = vector.extract_strided_slice %add3A_134 {offsets = [4, 0], sizes = [4, 2048], strides = [1, 1]} : vector<8x2048xf32> to vector<4x2048xf32>
      %add3A_151 = arith.addf %slice3A_149, %slice3A_150 : vector<4x2048xf32>
      %slice3A_152 = vector.extract_strided_slice %add3A_151 {offsets = [0, 0], sizes = [2, 2048], strides = [1, 1]} : vector<4x2048xf32> to vector<2x2048xf32>
      %slice3A_153 = vector.extract_strided_slice %add3A_151 {offsets = [2, 0], sizes = [2, 2048], strides = [1, 1]} : vector<4x2048xf32> to vector<2x2048xf32>
      %add3A_154 = arith.addf %slice3A_152, %slice3A_153 : vector<2x2048xf32>
      %slice3A_155 = vector.extract_strided_slice %add3A_154 {offsets = [0, 0], sizes = [1, 2048], strides = [1, 1]} : vector<2x2048xf32> to vector<1x2048xf32>
      %slice3A_156 = vector.extract_strided_slice %add3A_154 {offsets = [1, 0], sizes = [1, 2048], strides = [1, 1]} : vector<2x2048xf32> to vector<1x2048xf32>
      %add3A_157 = arith.addf %slice3A_155, %slice3A_156 : vector<1x2048xf32>
      %mul3A = arith.constant 4.8828125E-4 : f32
      %mul3A_158 = vector.broadcast %mul3A : f32 to vector<1x2048xf32>
      %mul3A_159 = arith.mulf %add3A_157, %mul3A_158 : vector<1x2048xf32>
      %max3A = arith.constant 1.000000e-30 : f32
      %max3A_160 = vector.broadcast %max3A : f32 to vector<1x2048xf32>
      %max3A_161 = arith.maximumf %mul3A_159, %max3A_160 : vector<1x2048xf32>
      %log3A = math.log %max3A_161 : vector<1x2048xf32>
      %get3A_162 = arith.constant 0 : index
      %get3A_163 = arith.constant 0 : index
      %get3A_164 = arith.constant 0 : index
      %get3A_165 = vector.load %arg3[%get3A_162, %get3A_163, %get3A_164] : memref<1x1x2048xf32, #tpu.memory_space<vmem>>, vector<1x1x2048xf32>
      %get3A_166 = vector.shape_cast %get3A_165 : vector<1x1x2048xf32> to vector<1x2048xf32>
      %add3A_167 = arith.addf %log3A, %get3A_166 : vector<1x2048xf32>
      %swap3A_168 = arith.index_cast %arg0 : i32 to index
      %swap3A_169 = arith.constant 0 : index
      %swap3A_170 = vector.load %arg6[%swap3A_168, %swap3A_169] : memref<16x2048xf32, #tpu.memory_space<vmem>>, vector<1x2048xf32>
      tpu.vector_store %arg6[%swap3A_168, %swap3A_169], %add3A_167 {strides = array<i32>} : memref<16x2048xf32, #tpu.memory_space<vmem>>, vector<1x2048xf32>,
    } else {
    }
    %eq3A_142 = arith.constant 15 : i32
    %eq3A_143 = arith.cmpi eq, %arg0, %eq3A_142 : i32
    %eq3A_144 = arith.constant 3 : i32
    %eq3A_145 = arith.cmpi eq, %arg1, %eq3A_144 : i32
    %and3A = arith.andi %eq3A_143, %eq3A_145 : i1
    %convert_element_type3A_146 = arith.extui %and3A : i1 to i32
    %cond3A_147 = arith.constant 0 : i32
    %cond3A_148 = arith.cmpi ne, %convert_element_type3A_146, %cond3A_147 : i32
    scf.if %cond3A_148 {
      %get3A_149 = arith.constant 0 : index
      %get3A_150 = arith.constant 0 : index
      %get3A_151 = vector.load %arg6[%get3A_149, %get3A_150] : memref<16x2048xf32, #tpu.memory_space<vmem>>, vector<16x2048xf32>
      %iota3A = tpu.iota {dimensions = array<i32: 1>} : vector<16x2048xi32>
      %reduce_max3A = arith.constant dense<0xFF800000> : vector<16xf32>
      %reduce_max3A_152 = vector.multi_reduction <maximumf>, %get3A_151, %reduce_max3A [1] : vector<16x2048xf32> to vector<16xf32>
      %broadcast_in_dim3A = vector.shape_cast %reduce_max3A_152 : vector<16xf32> to vector<16x1xf32>
      %eq3A_153 = vector.broadcast %broadcast_in_dim3A : vector<16x1xf32> to vector<16x2048xf32>
      %eq3A_154 = arith.cmpf oeq, %get3A_151, %eq3A_153 : vector<16x2048xf32>
      %jit3A = arith.constant 2048 : i32
      %broadcast_in_dim3A_155 = vector.broadcast %jit3A : i32 to vector<16x2048xi32>
      %select_n3A = arith.select %eq3A_154, %iota3A, %broadcast_in_dim3A_155 : vector<16x2048xi1>, vector<16x2048xi32>
      %reduce_min3A = arith.constant dense<2147483647> : vector<16xi32>
      %reduce_min3A_156 = vector.multi_reduction <minsi>, %select_n3A, %reduce_min3A [1] : vector<16x2048xi32> to vector<16xi32>
      %broadcast_in_dim3A_157 = vector.shape_cast %reduce_min3A_156 : vector<16xi32> to vector<16x1xi32>
      %swap3A_158 = arith.constant 0 : index
      %swap3A_159 = arith.constant 0 : index
      %swap3A_160 = vector.load %arg4[%swap3A_158, %swap3A_159] : memref<16x64xi32, #tpu.memory_space<vmem>>, vector<16x1xi32>
      tpu.vector_store %arg4[%swap3A_158, %swap3A_159], %broadcast_in_dim3A_157 {strides = array<i32>} : memref<16x64xi32, #tpu.memory_space<vmem>>, vector<16x1xi32>,
      %eq3A_161 = vector.broadcast %broadcast_in_dim3A_157 : vector<16x1xi32> to vector<16x2048xi32>
      %eq3A_162 = arith.cmpi eq, %iota3A, %eq3A_161 : vector<16x2048xi32>
      %jit3A_163 = arith.constant 0xFF800000 : f32
      %broadcast_in_dim3A_164 = vector.broadcast %jit3A_163 : f32 to vector<16x2048xf32>
      %select_n3A_165 = arith.select %eq3A_162, %broadcast_in_dim3A_164, %get3A_151 : vector<16x2048xi1>, vector<16x2048xf32>
      %reduce_max3A_166 = arith.constant dense<0xFF800000> : vector<16xf32>
      %reduce_max3A_167 = vector.multi_reduction <maximumf>, %select_n3A_165, %reduce_max3A_166 [1] : vector<16x2048xf32> to vector<16xf32>
      %broadcast_in_dim3A_168 = vector.shape_cast %reduce_max3A_167 : vector<16xf32> to vector<16x1xf32>
      %eq3A_169 = vector.broadcast %broadcast_in_dim3A_168 : vector<16x1xf32> to vector<16x2048xf32>
      %eq3A_170 = arith.cmpf oeq, %select_n3A_165, %eq3A_169 : vector<16x2048xf32>
      %jit3A_171 = arith.constant 2048 : i32
      %broadcast_in_dim3A_172 = vector.broadcast %jit3A_171 : i32 to vector<16x2048xi32>
      %select_n3A_173 = arith.select %eq3A_170, %iota3A, %broadcast_in_dim3A_172 : vector<16x2048xi1>, vector<16x2048xi32>
      %reduce_min3A_174 = arith.constant dense<2147483647> : vector<16xi32>
      %reduce_min3A_175 = vector.multi_reduction <minsi>, %select_n3A_173, %reduce_min3A_174 [1] : vector<16x2048xi32> to vector<16xi32>
      %broadcast_in_dim3A_176 = vector.shape_cast %reduce_min3A_175 : vector<16xi32> to vector<16x1xi32>
      %swap3A_177 = arith.constant 0 : index
      %swap3A_178 = arith.constant 1 : index
      %swap3A_179 = vector.load %arg4[%swap3A_177, %swap3A_178] : memref<16x64xi32, #tpu.memory_space<vmem>>, vector<16x1xi32>
      tpu.vector_store %arg4[%swap3A_177, %swap3A_178], %broadcast_in_dim3A_176 {strides = array<i32>} : memref<16x64xi32, #tpu.memory_space<vmem>>, vector<16x1xi32>,
      %eq3A_180 = vector.broadcast %broadcast_in_dim3A_176 : vector<16x1xi32> to vector<16x2048xi32>
      %eq3A_181 = arith.cmpi eq, %iota3A, %eq3A_180 : vector<16x2048xi32>
      %jit3A_182 = arith.constant 0xFF800000 : f32
      %broadcast_in_dim3A_183 = vector.broadcast %jit3A_182 : f32 to vector<16x2048xf32>
      %select_n3A_184 = arith.select %eq3A_181, %broadcast_in_dim3A_183, %select_n3A_165 : vector<16x2048xi1>, vector<16x2048xf32>
      %reduce_max3A_185 = arith.constant dense<0xFF800000> : vector<16xf32>
      %reduce_max3A_186 = vector.multi_reduction <maximumf>, %select_n3A_184, %reduce_max3A_185 [1] : vector<16x2048xf32> to vector<16xf32>
      %broadcast_in_dim3A_187 = vector.shape_cast %reduce_max3A_186 : vector<16xf32> to vector<16x1xf32>
      %eq3A_188 = vector.broadcast %broadcast_in_dim3A_187 : vector<16x1xf32> to vector<16x2048xf32>
      %eq3A_189 = arith.cmpf oeq, %select_n3A_184, %eq3A_188 : vector<16x2048xf32>
      %jit3A_190 = arith.constant 2048 : i32
      %broadcast_in_dim3A_191 = vector.broadcast %jit3A_190 : i32 to vector<16x2048xi32>
      %select_n3A_192 = arith.select %eq3A_189, %iota3A, %broadcast_in_dim3A_191 : vector<16x2048xi1>, vector<16x2048xi32>
      %reduce_min3A_193 = arith.constant dense<2147483647> : vector<16xi32>
      %reduce_min3A_194 = vector.multi_reduction <minsi>, %select_n3A_192, %reduce_min3A_193 [1] : vector<16x2048xi32> to vector<16xi32>
      %broadcast_in_dim3A_195 = vector.shape_cast %reduce_min3A_194 : vector<16xi32> to vector<16x1xi32>
      %swap3A_196 = arith.constant 0 : index
      %swap3A_197 = arith.constant 2 : index
      %swap3A_198 = vector.load %arg4[%swap3A_196, %swap3A_197] : memref<16x64xi32, #tpu.memory_space<vmem>>, vector<16x1xi32>
      tpu.vector_store %arg4[%swap3A_196, %swap3A_197], %broadcast_in_dim3A_195 {strides = array<i32>} : memref<16x64xi32, #tpu.memory_space<vmem>>, vector<16x1xi32>,
      %eq3A_199 = vector.broadcast %broadcast_in_dim3A_195 : vector<16x1xi32> to vector<16x2048xi32>
      %eq3A_200 = arith.cmpi eq, %iota3A, %eq3A_199 : vector<16x2048xi32>
      %jit3A_201 = arith.constant 0xFF800000 : f32
      %broadcast_in_dim3A_202 = vector.broadcast %jit3A_201 : f32 to vector<16x2048xf32>
      %select_n3A_203 = arith.select %eq3A_200, %broadcast_in_dim3A_202, %select_n3A_184 : vector<16x2048xi1>, vector<16x2048xf32>
      %reduce_max3A_204 = arith.constant dense<0xFF800000> : vector<16xf32>
      %reduce_max3A_205 = vector.multi_reduction <maximumf>, %select_n3A_203, %reduce_max3A_204 [1] : vector<16x2048xf32> to vector<16xf32>
      %broadcast_in_dim3A_206 = vector.shape_cast %reduce_max3A_205 : vector<16xf32> to vector<16x1xf32>
      %eq3A_207 = vector.broadcast %broadcast_in_dim3A_206 : vector<16x1xf32> to vector<16x2048xf32>
      %eq3A_208 = arith.cmpf oeq, %select_n3A_203, %eq3A_207 : vector<16x2048xf32>
      %jit3A_209 = arith.constant 2048 : i32
      %broadcast_in_dim3A_210 = vector.broadcast %jit3A_209 : i32 to vector<16x2048xi32>
      %select_n3A_211 = arith.select %eq3A_208, %iota3A, %broadcast_in_dim3A_210 : vector<16x2048xi1>, vector<16x2048xi32>
      %reduce_min3A_212 = arith.constant dense<2147483647> : vector<16xi32>
      %reduce_min3A_213 = vector.multi_reduction <minsi>, %select_n3A_211, %reduce_min3A_212 [1] : vector<16x2048xi32> to vector<16xi32>
      %broadcast_in_dim3A_214 = vector.shape_cast %reduce_min3A_213 : vector<16xi32> to vector<16x1xi32>
      %swap3A_215 = arith.constant 0 : index
      %swap3A_216 = arith.constant 3 : index
      %swap3A_217 = vector.load %arg4[%swap3A_215, %swap3A_216] : memref<16x64xi32, #tpu.memory_space<vmem>>, vector<16x1xi32>
      tpu.vector_store %arg4[%swap3A_215, %swap3A_216], %broadcast_in_dim3A_214 {strides = array<i32>} : memref<16x64xi32, #tpu.memory_space<vmem>>, vector<16x1xi32>,
      %eq3A_218 = vector.broadcast %broadcast_in_dim3A_214 : vector<16x1xi32> to vector<16x2048xi32>
      %eq3A_219 = arith.cmpi eq, %iota3A, %eq3A_218 : vector<16x2048xi32>
      %jit3A_220 = arith.constant 0xFF800000 : f32
      %broadcast_in_dim3A_221 = vector.broadcast %jit3A_220 : f32 to vector<16x2048xf32>
      %select_n3A_222 = arith.select %eq3A_219, %broadcast_in_dim3A_221, %select_n3A_203 : vector<16x2048xi1>, vector<16x2048xf32>
      %reduce_max3A_223 = arith.constant dense<0xFF800000> : vector<16xf32>
      %reduce_max3A_224 = vector.multi_reduction <maximumf>, %select_n3A_222, %reduce_max3A_223 [1] : vector<16x2048xf32> to vector<16xf32>
      %broadcast_in_dim3A_225 = vector.shape_cast %reduce_max3A_224 : vector<16xf32> to vector<16x1xf32>
      %eq3A_226 = vector.broadcast %broadcast_in_dim3A_225 : vector<16x1xf32> to vector<16x2048xf32>
      %eq3A_227 = arith.cmpf oeq, %select_n3A_222, %eq3A_226 : vector<16x2048xf32>
      %jit3A_228 = arith.constant 2048 : i32
      %broadcast_in_dim3A_229 = vector.broadcast %jit3A_228 : i32 to vector<16x2048xi32>
      %select_n3A_230 = arith.select %eq3A_227, %iota3A, %broadcast_in_dim3A_229 : vector<16x2048xi1>, vector<16x2048xi32>
      %reduce_min3A_231 = arith.constant dense<2147483647> : vector<16xi32>
      %reduce_min3A_232 = vector.multi_reduction <minsi>, %select_n3A_230, %reduce_min3A_231 [1] : vector<16x2048xi32> to vector<16xi32>
      %broadcast_in_dim3A_233 = vector.shape_cast %reduce_min3A_232 : vector<16xi32> to vector<16x1xi32>
      %swap3A_234 = arith.constant 0 : index
      %swap3A_235 = arith.constant 4 : index
      %swap3A_236 = vector.load %arg4[%swap3A_234, %swap3A_235] : memref<16x64xi32, #tpu.memory_space<vmem>>, vector<16x1xi32>
      tpu.vector_store %arg4[%swap3A_234, %swap3A_235], %broadcast_in_dim3A_233 {strides = array<i32>} : memref<16x64xi32, #tpu.memory_space<vmem>>, vector<16x1xi32>,
      %eq3A_237 = vector.broadcast %broadcast_in_dim3A_233 : vector<16x1xi32> to vector<16x2048xi32>
      %eq3A_238 = arith.cmpi eq, %iota3A, %eq3A_237 : vector<16x2048xi32>
      %jit3A_239 = arith.constant 0xFF800000 : f32
      %broadcast_in_dim3A_240 = vector.broadcast %jit3A_239 : f32 to vector<16x2048xf32>
      %select_n3A_241 = arith.select %eq3A_238, %broadcast_in_dim3A_240, %select_n3A_222 : vector<16x2048xi1>, vector<16x2048xf32>
      %reduce_max3A_242 = arith.constant dense<0xFF800000> : vector<16xf32>
      %reduce_max3A_243 = vector.multi_reduction <maximumf>, %select_n3A_241, %reduce_max3A_242 [1] : vector<16x2048xf32> to vector<16xf32>
      %broadcast_in_dim3A_244 = vector.shape_cast %reduce_max3A_243 : vector<16xf32> to vector<16x1xf32>
      %eq3A_245 = vector.broadcast %broadcast_in_dim3A_244 : vector<16x1xf32> to vector<16x2048xf32>
      %eq3A_246 = arith.cmpf oeq, %select_n3A_241, %eq3A_245 : vector<16x2048xf32>
      %jit3A_247 = arith.constant 2048 : i32
      %broadcast_in_dim3A_248 = vector.broadcast %jit3A_247 : i32 to vector<16x2048xi32>
      %select_n3A_249 = arith.select %eq3A_246, %iota3A, %broadcast_in_dim3A_248 : vector<16x2048xi1>, vector<16x2048xi32>
      %reduce_min3A_250 = arith.constant dense<2147483647> : vector<16xi32>
      %reduce_min3A_251 = vector.multi_reduction <minsi>, %select_n3A_249, %reduce_min3A_250 [1] : vector<16x2048xi32> to vector<16xi32>
      %broadcast_in_dim3A_252 = vector.shape_cast %reduce_min3A_251 : vector<16xi32> to vector<16x1xi32>
      %swap3A_253 = arith.constant 0 : index
      %swap3A_254 = arith.constant 5 : index
      %swap3A_255 = vector.load %arg4[%swap3A_253, %swap3A_254] : memref<16x64xi32, #tpu.memory_space<vmem>>, vector<16x1xi32>
      tpu.vector_store %arg4[%swap3A_253, %swap3A_254], %broadcast_in_dim3A_252 {strides = array<i32>} : memref<16x64xi32, #tpu.memory_space<vmem>>, vector<16x1xi32>,
      %eq3A_256 = vector.broadcast %broadcast_in_dim3A_252 : vector<16x1xi32> to vector<16x2048xi32>
      %eq3A_257 = arith.cmpi eq, %iota3A, %eq3A_256 : vector<16x2048xi32>
      %jit3A_258 = arith.constant 0xFF800000 : f32
      %broadcast_in_dim3A_259 = vector.broadcast %jit3A_258 : f32 to vector<16x2048xf32>
      %select_n3A_260 = arith.select %eq3A_257, %broadcast_in_dim3A_259, %select_n3A_241 : vector<16x2048xi1>, vector<16x2048xf32>
      %reduce_max3A_261 = arith.constant dense<0xFF800000> : vector<16xf32>
      %reduce_max3A_262 = vector.multi_reduction <maximumf>, %select_n3A_260, %reduce_max3A_261 [1] : vector<16x2048xf32> to vector<16xf32>
      %broadcast_in_dim3A_263 = vector.shape_cast %reduce_max3A_262 : vector<16xf32> to vector<16x1xf32>
      %eq3A_264 = vector.broadcast %broadcast_in_dim3A_263 : vector<16x1xf32> to vector<16x2048xf32>
      %eq3A_265 = arith.cmpf oeq, %select_n3A_260, %eq3A_264 : vector<16x2048xf32>
      %jit3A_266 = arith.constant 2048 : i32
      %broadcast_in_dim3A_267 = vector.broadcast %jit3A_266 : i32 to vector<16x2048xi32>
      %select_n3A_268 = arith.select %eq3A_265, %iota3A, %broadcast_in_dim3A_267 : vector<16x2048xi1>, vector<16x2048xi32>
      %reduce_min3A_269 = arith.constant dense<2147483647> : vector<16xi32>
      %reduce_min3A_270 = vector.multi_reduction <minsi>, %select_n3A_268, %reduce_min3A_269 [1] : vector<16x2048xi32> to vector<16xi32>
      %broadcast_in_dim3A_271 = vector.shape_cast %reduce_min3A_270 : vector<16xi32> to vector<16x1xi32>
      %swap3A_272 = arith.constant 0 : index
      %swap3A_273 = arith.constant 6 : index
      %swap3A_274 = vector.load %arg4[%swap3A_272, %swap3A_273] : memref<16x64xi32, #tpu.memory_space<vmem>>, vector<16x1xi32>
      tpu.vector_store %arg4[%swap3A_272, %swap3A_273], %broadcast_in_dim3A_271 {strides = array<i32>} : memref<16x64xi32, #tpu.memory_space<vmem>>, vector<16x1xi32>,
      %eq3A_275 = vector.broadcast %broadcast_in_dim3A_271 : vector<16x1xi32> to vector<16x2048xi32>
      %eq3A_276 = arith.cmpi eq, %iota3A, %eq3A_275 : vector<16x2048xi32>
      %jit3A_277 = arith.constant 0xFF800000 : f32
      %broadcast_in_dim3A_278 = vector.broadcast %jit3A_277 : f32 to vector<16x2048xf32>
      %select_n3A_279 = arith.select %eq3A_276, %broadcast_in_dim3A_278, %select_n3A_260 : vector<16x2048xi1>, vector<16x2048xf32>
      %reduce_max3A_280 = arith.constant dense<0xFF800000> : vector<16xf32>
      %reduce_max3A_281 = vector.multi_reduction <maximumf>, %select_n3A_279, %reduce_max3A_280 [1] : vector<16x2048xf32> to vector<16xf32>
      %broadcast_in_dim3A_282 = vector.shape_cast %reduce_max3A_281 : vector<16xf32> to vector<16x1xf32>
      %eq3A_283 = vector.broadcast %broadcast_in_dim3A_282 : vector<16x1xf32> to vector<16x2048xf32>
      %eq3A_284 = arith.cmpf oeq, %select_n3A_279, %eq3A_283 : vector<16x2048xf32>
      %jit3A_285 = arith.constant 2048 : i32
      %broadcast_in_dim3A_286 = vector.broadcast %jit3A_285 : i32 to vector<16x2048xi32>
      %select_n3A_287 = arith.select %eq3A_284, %iota3A, %broadcast_in_dim3A_286 : vector<16x2048xi1>, vector<16x2048xi32>
      %reduce_min3A_288 = arith.constant dense<2147483647> : vector<16xi32>
      %reduce_min3A_289 = vector.multi_reduction <minsi>, %select_n3A_287, %reduce_min3A_288 [1] : vector<16x2048xi32> to vector<16xi32>
      %broadcast_in_dim3A_290 = vector.shape_cast %reduce_min3A_289 : vector<16xi32> to vector<16x1xi32>
      %swap3A_291 = arith.constant 0 : index
      %swap3A_292 = arith.constant 7 : index
      %swap3A_293 = vector.load %arg4[%swap3A_291, %swap3A_292] : memref<16x64xi32, #tpu.memory_space<vmem>>, vector<16x1xi32>
      tpu.vector_store %arg4[%swap3A_291, %swap3A_292], %broadcast_in_dim3A_290 {strides = array<i32>} : memref<16x64xi32, #tpu.memory_space<vmem>>, vector<16x1xi32>,
      %eq3A_294 = vector.broadcast %broadcast_in_dim3A_290 : vector<16x1xi32> to vector<16x2048xi32>
      %eq3A_295 = arith.cmpi eq, %iota3A, %eq3A_294 : vector<16x2048xi32>
      %jit3A_296 = arith.constant 0xFF800000 : f32
      %broadcast_in_dim3A_297 = vector.broadcast %jit3A_296 : f32 to vector<16x2048xf32>
      %select_n3A_298 = arith.select %eq3A_295, %broadcast_in_dim3A_297, %select_n3A_279 : vector<16x2048xi1>, vector<16x2048xf32>
      %reduce_max3A_299 = arith.constant dense<0xFF800000> : vector<16xf32>
      %reduce_max3A_300 = vector.multi_reduction <maximumf>, %select_n3A_298, %reduce_max3A_299 [1] : vector<16x2048xf32> to vector<16xf32>
      %broadcast_in_dim3A_301 = vector.shape_cast %reduce_max3A_300 : vector<16xf32> to vector<16x1xf32>
      %eq3A_302 = vector.broadcast %broadcast_in_dim3A_301 : vector<16x1xf32> to vector<16x2048xf32>
      %eq3A_303 = arith.cmpf oeq, %select_n3A_298, %eq3A_302 : vector<16x2048xf32>
      %jit3A_304 = arith.constant 2048 : i32
      %broadcast_in_dim3A_305 = vector.broadcast %jit3A_304 : i32 to vector<16x2048xi32>
      %select_n3A_306 = arith.select %eq3A_303, %iota3A, %broadcast_in_dim3A_305 : vector<16x2048xi1>, vector<16x2048xi32>
      %reduce_min3A_307 = arith.constant dense<2147483647> : vector<16xi32>
      %reduce_min3A_308 = vector.multi_reduction <minsi>, %select_n3A_306, %reduce_min3A_307 [1] : vector<16x2048xi32> to vector<16xi32>
      %broadcast_in_dim3A_309 = vector.shape_cast %reduce_min3A_308 : vector<16xi32> to vector<16x1xi32>
      %swap3A_310 = arith.constant 0 : index
      %swap3A_311 = arith.constant 8 : index
      %swap3A_312 = vector.load %arg4[%swap3A_310, %swap3A_311] : memref<16x64xi32, #tpu.memory_space<vmem>>, vector<16x1xi32>
      tpu.vector_store %arg4[%swap3A_310, %swap3A_311], %broadcast_in_dim3A_309 {strides = array<i32>} : memref<16x64xi32, #tpu.memory_space<vmem>>, vector<16x1xi32>,
      %eq3A_313 = vector.broadcast %broadcast_in_dim3A_309 : vector<16x1xi32> to vector<16x2048xi32>
      %eq3A_314 = arith.cmpi eq, %iota3A, %eq3A_313 : vector<16x2048xi32>
      %jit3A_315 = arith.constant 0xFF800000 : f32
      %broadcast_in_dim3A_316 = vector.broadcast %jit3A_315 : f32 to vector<16x2048xf32>
      %select_n3A_317 = arith.select %eq3A_314, %broadcast_in_dim3A_316, %select_n3A_298 : vector<16x2048xi1>, vector<16x2048xf32>
      %reduce_max3A_318 = arith.constant dense<0xFF800000> : vector<16xf32>
      %reduce_max3A_319 = vector.multi_reduction <maximumf>, %select_n3A_317, %reduce_max3A_318 [1] : vector<16x2048xf32> to vector<16xf32>
      %broadcast_in_dim3A_320 = vector.shape_cast %reduce_max3A_319 : vector<16xf32> to vector<16x1xf32>
      %eq3A_321 = vector.broadcast %broadcast_in_dim3A_320 : vector<16x1xf32> to vector<16x2048xf32>
      %eq3A_322 = arith.cmpf oeq, %select_n3A_317, %eq3A_321 : vector<16x2048xf32>
      %jit3A_323 = arith.constant 2048 : i32
      %broadcast_in_dim3A_324 = vector.broadcast %jit3A_323 : i32 to vector<16x2048xi32>
      %select_n3A_325 = arith.select %eq3A_322, %iota3A, %broadcast_in_dim3A_324 : vector<16x2048xi1>, vector<16x2048xi32>
      %reduce_min3A_326 = arith.constant dense<2147483647> : vector<16xi32>
      %reduce_min3A_327 = vector.multi_reduction <minsi>, %select_n3A_325, %reduce_min3A_326 [1] : vector<16x2048xi32> to vector<16xi32>
      %broadcast_in_dim3A_328 = vector.shape_cast %reduce_min3A_327 : vector<16xi32> to vector<16x1xi32>
      %swap3A_329 = arith.constant 0 : index
      %swap3A_330 = arith.constant 9 : index
      %swap3A_331 = vector.load %arg4[%swap3A_329, %swap3A_330] : memref<16x64xi32, #tpu.memory_space<vmem>>, vector<16x1xi32>
      tpu.vector_store %arg4[%swap3A_329, %swap3A_330], %broadcast_in_dim3A_328 {strides = array<i32>} : memref<16x64xi32, #tpu.memory_space<vmem>>, vector<16x1xi32>,
      %eq3A_332 = vector.broadcast %broadcast_in_dim3A_328 : vector<16x1xi32> to vector<16x2048xi32>
      %eq3A_333 = arith.cmpi eq, %iota3A, %eq3A_332 : vector<16x2048xi32>
      %jit3A_334 = arith.constant 0xFF800000 : f32
      %broadcast_in_dim3A_335 = vector.broadcast %jit3A_334 : f32 to vector<16x2048xf32>
      %select_n3A_336 = arith.select %eq3A_333, %broadcast_in_dim3A_335, %select_n3A_317 : vector<16x2048xi1>, vector<16x2048xf32>
      %reduce_max3A_337 = arith.constant dense<0xFF800000> : vector<16xf32>
      %reduce_max3A_338 = vector.multi_reduction <maximumf>, %select_n3A_336, %reduce_max3A_337 [1] : vector<16x2048xf32> to vector<16xf32>
      %broadcast_in_dim3A_339 = vector.shape_cast %reduce_max3A_338 : vector<16xf32> to vector<16x1xf32>
      %eq3A_340 = vector.broadcast %broadcast_in_dim3A_339 : vector<16x1xf32> to vector<16x2048xf32>
      %eq3A_341 = arith.cmpf oeq, %select_n3A_336, %eq3A_340 : vector<16x2048xf32>
      %jit3A_342 = arith.constant 2048 : i32
      %broadcast_in_dim3A_343 = vector.broadcast %jit3A_342 : i32 to vector<16x2048xi32>
      %select_n3A_344 = arith.select %eq3A_341, %iota3A, %broadcast_in_dim3A_343 : vector<16x2048xi1>, vector<16x2048xi32>
      %reduce_min3A_345 = arith.constant dense<2147483647> : vector<16xi32>
      %reduce_min3A_346 = vector.multi_reduction <minsi>, %select_n3A_344, %reduce_min3A_345 [1] : vector<16x2048xi32> to vector<16xi32>
      %broadcast_in_dim3A_347 = vector.shape_cast %reduce_min3A_346 : vector<16xi32> to vector<16x1xi32>
      %swap3A_348 = arith.constant 0 : index
      %swap3A_349 = arith.constant 10 : index
      %swap3A_350 = vector.load %arg4[%swap3A_348, %swap3A_349] : memref<16x64xi32, #tpu.memory_space<vmem>>, vector<16x1xi32>
      tpu.vector_store %arg4[%swap3A_348, %swap3A_349], %broadcast_in_dim3A_347 {strides = array<i32>} : memref<16x64xi32, #tpu.memory_space<vmem>>, vector<16x1xi32>,
      %eq3A_351 = vector.broadcast %broadcast_in_dim3A_347 : vector<16x1xi32> to vector<16x2048xi32>
      %eq3A_352 = arith.cmpi eq, %iota3A, %eq3A_351 : vector<16x2048xi32>
      %jit3A_353 = arith.constant 0xFF800000 : f32
      %broadcast_in_dim3A_354 = vector.broadcast %jit3A_353 : f32 to vector<16x2048xf32>
      %select_n3A_355 = arith.select %eq3A_352, %broadcast_in_dim3A_354, %select_n3A_336 : vector<16x2048xi1>, vector<16x2048xf32>
      %reduce_max3A_356 = arith.constant dense<0xFF800000> : vector<16xf32>
      %reduce_max3A_357 = vector.multi_reduction <maximumf>, %select_n3A_355, %reduce_max3A_356 [1] : vector<16x2048xf32> to vector<16xf32>
      %broadcast_in_dim3A_358 = vector.shape_cast %reduce_max3A_357 : vector<16xf32> to vector<16x1xf32>
      %eq3A_359 = vector.broadcast %broadcast_in_dim3A_358 : vector<16x1xf32> to vector<16x2048xf32>
      %eq3A_360 = arith.cmpf oeq, %select_n3A_355, %eq3A_359 : vector<16x2048xf32>
      %jit3A_361 = arith.constant 2048 : i32
      %broadcast_in_dim3A_362 = vector.broadcast %jit3A_361 : i32 to vector<16x2048xi32>
      %select_n3A_363 = arith.select %eq3A_360, %iota3A, %broadcast_in_dim3A_362 : vector<16x2048xi1>, vector<16x2048xi32>
      %reduce_min3A_364 = arith.constant dense<2147483647> : vector<16xi32>
      %reduce_min3A_365 = vector.multi_reduction <minsi>, %select_n3A_363, %reduce_min3A_364 [1] : vector<16x2048xi32> to vector<16xi32>
      %broadcast_in_dim3A_366 = vector.shape_cast %reduce_min3A_365 : vector<16xi32> to vector<16x1xi32>
      %swap3A_367 = arith.constant 0 : index
      %swap3A_368 = arith.constant 11 : index
      %swap3A_369 = vector.load %arg4[%swap3A_367, %swap3A_368] : memref<16x64xi32, #tpu.memory_space<vmem>>, vector<16x1xi32>
      tpu.vector_store %arg4[%swap3A_367, %swap3A_368], %broadcast_in_dim3A_366 {strides = array<i32>} : memref<16x64xi32, #tpu.memory_space<vmem>>, vector<16x1xi32>,
      %eq3A_370 = vector.broadcast %broadcast_in_dim3A_366 : vector<16x1xi32> to vector<16x2048xi32>
      %eq3A_371 = arith.cmpi eq, %iota3A, %eq3A_370 : vector<16x2048xi32>
      %jit3A_372 = arith.constant 0xFF800000 : f32
      %broadcast_in_dim3A_373 = vector.broadcast %jit3A_372 : f32 to vector<16x2048xf32>
      %select_n3A_374 = arith.select %eq3A_371, %broadcast_in_dim3A_373, %select_n3A_355 : vector<16x2048xi1>, vector<16x2048xf32>
      %reduce_max3A_375 = arith.constant dense<0xFF800000> : vector<16xf32>
      %reduce_max3A_376 = vector.multi_reduction <maximumf>, %select_n3A_374, %reduce_max3A_375 [1] : vector<16x2048xf32> to vector<16xf32>
      %broadcast_in_dim3A_377 = vector.shape_cast %reduce_max3A_376 : vector<16xf32> to vector<16x1xf32>
      %eq3A_378 = vector.broadcast %broadcast_in_dim3A_377 : vector<16x1xf32> to vector<16x2048xf32>
      %eq3A_379 = arith.cmpf oeq, %select_n3A_374, %eq3A_378 : vector<16x2048xf32>
      %jit3A_380 = arith.constant 2048 : i32
      %broadcast_in_dim3A_381 = vector.broadcast %jit3A_380 : i32 to vector<16x2048xi32>
      %select_n3A_382 = arith.select %eq3A_379, %iota3A, %broadcast_in_dim3A_381 : vector<16x2048xi1>, vector<16x2048xi32>
      %reduce_min3A_383 = arith.constant dense<2147483647> : vector<16xi32>
      %reduce_min3A_384 = vector.multi_reduction <minsi>, %select_n3A_382, %reduce_min3A_383 [1] : vector<16x2048xi32> to vector<16xi32>
      %broadcast_in_dim3A_385 = vector.shape_cast %reduce_min3A_384 : vector<16xi32> to vector<16x1xi32>
      %swap3A_386 = arith.constant 0 : index
      %swap3A_387 = arith.constant 12 : index
      %swap3A_388 = vector.load %arg4[%swap3A_386, %swap3A_387] : memref<16x64xi32, #tpu.memory_space<vmem>>, vector<16x1xi32>
      tpu.vector_store %arg4[%swap3A_386, %swap3A_387], %broadcast_in_dim3A_385 {strides = array<i32>} : memref<16x64xi32, #tpu.memory_space<vmem>>, vector<16x1xi32>,
      %eq3A_389 = vector.broadcast %broadcast_in_dim3A_385 : vector<16x1xi32> to vector<16x2048xi32>
      %eq3A_390 = arith.cmpi eq, %iota3A, %eq3A_389 : vector<16x2048xi32>
      %jit3A_391 = arith.constant 0xFF800000 : f32
      %broadcast_in_dim3A_392 = vector.broadcast %jit3A_391 : f32 to vector<16x2048xf32>
      %select_n3A_393 = arith.select %eq3A_390, %broadcast_in_dim3A_392, %select_n3A_374 : vector<16x2048xi1>, vector<16x2048xf32>
      %reduce_max3A_394 = arith.constant dense<0xFF800000> : vector<16xf32>
      %reduce_max3A_395 = vector.multi_reduction <maximumf>, %select_n3A_393, %reduce_max3A_394 [1] : vector<16x2048xf32> to vector<16xf32>
      %broadcast_in_dim3A_396 = vector.shape_cast %reduce_max3A_395 : vector<16xf32> to vector<16x1xf32>
      %eq3A_397 = vector.broadcast %broadcast_in_dim3A_396 : vector<16x1xf32> to vector<16x2048xf32>
      %eq3A_398 = arith.cmpf oeq, %select_n3A_393, %eq3A_397 : vector<16x2048xf32>
      %jit3A_399 = arith.constant 2048 : i32
      %broadcast_in_dim3A_400 = vector.broadcast %jit3A_399 : i32 to vector<16x2048xi32>
      %select_n3A_401 = arith.select %eq3A_398, %iota3A, %broadcast_in_dim3A_400 : vector<16x2048xi1>, vector<16x2048xi32>
      %reduce_min3A_402 = arith.constant dense<2147483647> : vector<16xi32>
      %reduce_min3A_403 = vector.multi_reduction <minsi>, %select_n3A_401, %reduce_min3A_402 [1] : vector<16x2048xi32> to vector<16xi32>
      %broadcast_in_dim3A_404 = vector.shape_cast %reduce_min3A_403 : vector<16xi32> to vector<16x1xi32>
      %swap3A_405 = arith.constant 0 : index
      %swap3A_406 = arith.constant 13 : index
      %swap3A_407 = vector.load %arg4[%swap3A_405, %swap3A_406] : memref<16x64xi32, #tpu.memory_space<vmem>>, vector<16x1xi32>
      tpu.vector_store %arg4[%swap3A_405, %swap3A_406], %broadcast_in_dim3A_404 {strides = array<i32>} : memref<16x64xi32, #tpu.memory_space<vmem>>, vector<16x1xi32>,
      %eq3A_408 = vector.broadcast %broadcast_in_dim3A_404 : vector<16x1xi32> to vector<16x2048xi32>
      %eq3A_409 = arith.cmpi eq, %iota3A, %eq3A_408 : vector<16x2048xi32>
      %jit3A_410 = arith.constant 0xFF800000 : f32
      %broadcast_in_dim3A_411 = vector.broadcast %jit3A_410 : f32 to vector<16x2048xf32>
      %select_n3A_412 = arith.select %eq3A_409, %broadcast_in_dim3A_411, %select_n3A_393 : vector<16x2048xi1>, vector<16x2048xf32>
      %reduce_max3A_413 = arith.constant dense<0xFF800000> : vector<16xf32>
      %reduce_max3A_414 = vector.multi_reduction <maximumf>, %select_n3A_412, %reduce_max3A_413 [1] : vector<16x2048xf32> to vector<16xf32>
      %broadcast_in_dim3A_415 = vector.shape_cast %reduce_max3A_414 : vector<16xf32> to vector<16x1xf32>
      %eq3A_416 = vector.broadcast %broadcast_in_dim3A_415 : vector<16x1xf32> to vector<16x2048xf32>
      %eq3A_417 = arith.cmpf oeq, %select_n3A_412, %eq3A_416 : vector<16x2048xf32>
      %jit3A_418 = arith.constant 2048 : i32
      %broadcast_in_dim3A_419 = vector.broadcast %jit3A_418 : i32 to vector<16x2048xi32>
      %select_n3A_420 = arith.select %eq3A_417, %iota3A, %broadcast_in_dim3A_419 : vector<16x2048xi1>, vector<16x2048xi32>
      %reduce_min3A_421 = arith.constant dense<2147483647> : vector<16xi32>
      %reduce_min3A_422 = vector.multi_reduction <minsi>, %select_n3A_420, %reduce_min3A_421 [1] : vector<16x2048xi32> to vector<16xi32>
      %broadcast_in_dim3A_423 = vector.shape_cast %reduce_min3A_422 : vector<16xi32> to vector<16x1xi32>
      %swap3A_424 = arith.constant 0 : index
      %swap3A_425 = arith.constant 14 : index
      %swap3A_426 = vector.load %arg4[%swap3A_424, %swap3A_425] : memref<16x64xi32, #tpu.memory_space<vmem>>, vector<16x1xi32>
      tpu.vector_store %arg4[%swap3A_424, %swap3A_425], %broadcast_in_dim3A_423 {strides = array<i32>} : memref<16x64xi32, #tpu.memory_space<vmem>>, vector<16x1xi32>,
      %eq3A_427 = vector.broadcast %broadcast_in_dim3A_423 : vector<16x1xi32> to vector<16x2048xi32>
      %eq3A_428 = arith.cmpi eq, %iota3A, %eq3A_427 : vector<16x2048xi32>
      %jit3A_429 = arith.constant 0xFF800000 : f32
      %broadcast_in_dim3A_430 = vector.broadcast %jit3A_429 : f32 to vector<16x2048xf32>
      %select_n3A_431 = arith.select %eq3A_428, %broadcast_in_dim3A_430, %select_n3A_412 : vector<16x2048xi1>, vector<16x2048xf32>
      %reduce_max3A_432 = arith.constant dense<0xFF800000> : vector<16xf32>
      %reduce_max3A_433 = vector.multi_reduction <maximumf>, %select_n3A_431, %reduce_max3A_432 [1] : vector<16x2048xf32> to vector<16xf32>
      %broadcast_in_dim3A_434 = vector.shape_cast %reduce_max3A_433 : vector<16xf32> to vector<16x1xf32>
      %eq3A_435 = vector.broadcast %broadcast_in_dim3A_434 : vector<16x1xf32> to vector<16x2048xf32>
      %eq3A_436 = arith.cmpf oeq, %select_n3A_431, %eq3A_435 : vector<16x2048xf32>
      %jit3A_437 = arith.constant 2048 : i32
      %broadcast_in_dim3A_438 = vector.broadcast %jit3A_437 : i32 to vector<16x2048xi32>
      %select_n3A_439 = arith.select %eq3A_436, %iota3A, %broadcast_in_dim3A_438 : vector<16x2048xi1>, vector<16x2048xi32>
      %reduce_min3A_440 = arith.constant dense<2147483647> : vector<16xi32>
      %reduce_min3A_441 = vector.multi_reduction <minsi>, %select_n3A_439, %reduce_min3A_440 [1] : vector<16x2048xi32> to vector<16xi32>
      %broadcast_in_dim3A_442 = vector.shape_cast %reduce_min3A_441 : vector<16xi32> to vector<16x1xi32>
      %swap3A_443 = arith.constant 0 : index
      %swap3A_444 = arith.constant 15 : index
      %swap3A_445 = vector.load %arg4[%swap3A_443, %swap3A_444] : memref<16x64xi32, #tpu.memory_space<vmem>>, vector<16x1xi32>
      tpu.vector_store %arg4[%swap3A_443, %swap3A_444], %broadcast_in_dim3A_442 {strides = array<i32>} : memref<16x64xi32, #tpu.memory_space<vmem>>, vector<16x1xi32>,
      %eq3A_446 = vector.broadcast %broadcast_in_dim3A_442 : vector<16x1xi32> to vector<16x2048xi32>
      %eq3A_447 = arith.cmpi eq, %iota3A, %eq3A_446 : vector<16x2048xi32>
      %jit3A_448 = arith.constant 0xFF800000 : f32
      %broadcast_in_dim3A_449 = vector.broadcast %jit3A_448 : f32 to vector<16x2048xf32>
      %select_n3A_450 = arith.select %eq3A_447, %broadcast_in_dim3A_449, %select_n3A_431 : vector<16x2048xi1>, vector<16x2048xf32>
      %reduce_max3A_451 = arith.constant dense<0xFF800000> : vector<16xf32>
      %reduce_max3A_452 = vector.multi_reduction <maximumf>, %select_n3A_450, %reduce_max3A_451 [1] : vector<16x2048xf32> to vector<16xf32>
      %broadcast_in_dim3A_453 = vector.shape_cast %reduce_max3A_452 : vector<16xf32> to vector<16x1xf32>
      %eq3A_454 = vector.broadcast %broadcast_in_dim3A_453 : vector<16x1xf32> to vector<16x2048xf32>
      %eq3A_455 = arith.cmpf oeq, %select_n3A_450, %eq3A_454 : vector<16x2048xf32>
      %jit3A_456 = arith.constant 2048 : i32
      %broadcast_in_dim3A_457 = vector.broadcast %jit3A_456 : i32 to vector<16x2048xi32>
      %select_n3A_458 = arith.select %eq3A_455, %iota3A, %broadcast_in_dim3A_457 : vector<16x2048xi1>, vector<16x2048xi32>
      %reduce_min3A_459 = arith.constant dense<2147483647> : vector<16xi32>
      %reduce_min3A_460 = vector.multi_reduction <minsi>, %select_n3A_458, %reduce_min3A_459 [1] : vector<16x2048xi32> to vector<16xi32>
      %broadcast_in_dim3A_461 = vector.shape_cast %reduce_min3A_460 : vector<16xi32> to vector<16x1xi32>
      %swap3A_462 = arith.constant 0 : index
      %swap3A_463 = arith.constant 16 : index
      %swap3A_464 = vector.load %arg4[%swap3A_462, %swap3A_463] : memref<16x64xi32, #tpu.memory_space<vmem>>, vector<16x1xi32>
      tpu.vector_store %arg4[%swap3A_462, %swap3A_463], %broadcast_in_dim3A_461 {strides = array<i32>} : memref<16x64xi32, #tpu.memory_space<vmem>>, vector<16x1xi32>,
      %eq3A_465 = vector.broadcast %broadcast_in_dim3A_461 : vector<16x1xi32> to vector<16x2048xi32>
      %eq3A_466 = arith.cmpi eq, %iota3A, %eq3A_465 : vector<16x2048xi32>
      %jit3A_467 = arith.constant 0xFF800000 : f32
      %broadcast_in_dim3A_468 = vector.broadcast %jit3A_467 : f32 to vector<16x2048xf32>
      %select_n3A_469 = arith.select %eq3A_466, %broadcast_in_dim3A_468, %select_n3A_450 : vector<16x2048xi1>, vector<16x2048xf32>
      %reduce_max3A_470 = arith.constant dense<0xFF800000> : vector<16xf32>
      %reduce_max3A_471 = vector.multi_reduction <maximumf>, %select_n3A_469, %reduce_max3A_470 [1] : vector<16x2048xf32> to vector<16xf32>
      %broadcast_in_dim3A_472 = vector.shape_cast %reduce_max3A_471 : vector<16xf32> to vector<16x1xf32>
      %eq3A_473 = vector.broadcast %broadcast_in_dim3A_472 : vector<16x1xf32> to vector<16x2048xf32>
      %eq3A_474 = arith.cmpf oeq, %select_n3A_469, %eq3A_473 : vector<16x2048xf32>
      %jit3A_475 = arith.constant 2048 : i32
      %broadcast_in_dim3A_476 = vector.broadcast %jit3A_475 : i32 to vector<16x2048xi32>
      %select_n3A_477 = arith.select %eq3A_474, %iota3A, %broadcast_in_dim3A_476 : vector<16x2048xi1>, vector<16x2048xi32>
      %reduce_min3A_478 = arith.constant dense<2147483647> : vector<16xi32>
      %reduce_min3A_479 = vector.multi_reduction <minsi>, %select_n3A_477, %reduce_min3A_478 [1] : vector<16x2048xi32> to vector<16xi32>
      %broadcast_in_dim3A_480 = vector.shape_cast %reduce_min3A_479 : vector<16xi32> to vector<16x1xi32>
      %swap3A_481 = arith.constant 0 : index
      %swap3A_482 = arith.constant 17 : index
      %swap3A_483 = vector.load %arg4[%swap3A_481, %swap3A_482] : memref<16x64xi32, #tpu.memory_space<vmem>>, vector<16x1xi32>
      tpu.vector_store %arg4[%swap3A_481, %swap3A_482], %broadcast_in_dim3A_480 {strides = array<i32>} : memref<16x64xi32, #tpu.memory_space<vmem>>, vector<16x1xi32>,
      %eq3A_484 = vector.broadcast %broadcast_in_dim3A_480 : vector<16x1xi32> to vector<16x2048xi32>
      %eq3A_485 = arith.cmpi eq, %iota3A, %eq3A_484 : vector<16x2048xi32>
      %jit3A_486 = arith.constant 0xFF800000 : f32
      %broadcast_in_dim3A_487 = vector.broadcast %jit3A_486 : f32 to vector<16x2048xf32>
      %select_n3A_488 = arith.select %eq3A_485, %broadcast_in_dim3A_487, %select_n3A_469 : vector<16x2048xi1>, vector<16x2048xf32>
      %reduce_max3A_489 = arith.constant dense<0xFF800000> : vector<16xf32>
      %reduce_max3A_490 = vector.multi_reduction <maximumf>, %select_n3A_488, %reduce_max3A_489 [1] : vector<16x2048xf32> to vector<16xf32>
      %broadcast_in_dim3A_491 = vector.shape_cast %reduce_max3A_490 : vector<16xf32> to vector<16x1xf32>
      %eq3A_492 = vector.broadcast %broadcast_in_dim3A_491 : vector<16x1xf32> to vector<16x2048xf32>
      %eq3A_493 = arith.cmpf oeq, %select_n3A_488, %eq3A_492 : vector<16x2048xf32>
      %jit3A_494 = arith.constant 2048 : i32
      %broadcast_in_dim3A_495 = vector.broadcast %jit3A_494 : i32 to vector<16x2048xi32>
      %select_n3A_496 = arith.select %eq3A_493, %iota3A, %broadcast_in_dim3A_495 : vector<16x2048xi1>, vector<16x2048xi32>
      %reduce_min3A_497 = arith.constant dense<2147483647> : vector<16xi32>
      %reduce_min3A_498 = vector.multi_reduction <minsi>, %select_n3A_496, %reduce_min3A_497 [1] : vector<16x2048xi32> to vector<16xi32>
      %broadcast_in_dim3A_499 = vector.shape_cast %reduce_min3A_498 : vector<16xi32> to vector<16x1xi32>
      %swap3A_500 = arith.constant 0 : index
      %swap3A_501 = arith.constant 18 : index
      %swap3A_502 = vector.load %arg4[%swap3A_500, %swap3A_501] : memref<16x64xi32, #tpu.memory_space<vmem>>, vector<16x1xi32>
      tpu.vector_store %arg4[%swap3A_500, %swap3A_501], %broadcast_in_dim3A_499 {strides = array<i32>} : memref<16x64xi32, #tpu.memory_space<vmem>>, vector<16x1xi32>,
      %eq3A_503 = vector.broadcast %broadcast_in_dim3A_499 : vector<16x1xi32> to vector<16x2048xi32>
      %eq3A_504 = arith.cmpi eq, %iota3A, %eq3A_503 : vector<16x2048xi32>
      %jit3A_505 = arith.constant 0xFF800000 : f32
      %broadcast_in_dim3A_506 = vector.broadcast %jit3A_505 : f32 to vector<16x2048xf32>
      %select_n3A_507 = arith.select %eq3A_504, %broadcast_in_dim3A_506, %select_n3A_488 : vector<16x2048xi1>, vector<16x2048xf32>
      %reduce_max3A_508 = arith.constant dense<0xFF800000> : vector<16xf32>
      %reduce_max3A_509 = vector.multi_reduction <maximumf>, %select_n3A_507, %reduce_max3A_508 [1] : vector<16x2048xf32> to vector<16xf32>
      %broadcast_in_dim3A_510 = vector.shape_cast %reduce_max3A_509 : vector<16xf32> to vector<16x1xf32>
      %eq3A_511 = vector.broadcast %broadcast_in_dim3A_510 : vector<16x1xf32> to vector<16x2048xf32>
      %eq3A_512 = arith.cmpf oeq, %select_n3A_507, %eq3A_511 : vector<16x2048xf32>
      %jit3A_513 = arith.constant 2048 : i32
      %broadcast_in_dim3A_514 = vector.broadcast %jit3A_513 : i32 to vector<16x2048xi32>
      %select_n3A_515 = arith.select %eq3A_512, %iota3A, %broadcast_in_dim3A_514 : vector<16x2048xi1>, vector<16x2048xi32>
      %reduce_min3A_516 = arith.constant dense<2147483647> : vector<16xi32>
      %reduce_min3A_517 = vector.multi_reduction <minsi>, %select_n3A_515, %reduce_min3A_516 [1] : vector<16x2048xi32> to vector<16xi32>
      %broadcast_in_dim3A_518 = vector.shape_cast %reduce_min3A_517 : vector<16xi32> to vector<16x1xi32>
      %swap3A_519 = arith.constant 0 : index
      %swap3A_520 = arith.constant 19 : index
      %swap3A_521 = vector.load %arg4[%swap3A_519, %swap3A_520] : memref<16x64xi32, #tpu.memory_space<vmem>>, vector<16x1xi32>
      tpu.vector_store %arg4[%swap3A_519, %swap3A_520], %broadcast_in_dim3A_518 {strides = array<i32>} : memref<16x64xi32, #tpu.memory_space<vmem>>, vector<16x1xi32>,
      %eq3A_522 = vector.broadcast %broadcast_in_dim3A_518 : vector<16x1xi32> to vector<16x2048xi32>
      %eq3A_523 = arith.cmpi eq, %iota3A, %eq3A_522 : vector<16x2048xi32>
      %jit3A_524 = arith.constant 0xFF800000 : f32
      %broadcast_in_dim3A_525 = vector.broadcast %jit3A_524 : f32 to vector<16x2048xf32>
      %select_n3A_526 = arith.select %eq3A_523, %broadcast_in_dim3A_525, %select_n3A_507 : vector<16x2048xi1>, vector<16x2048xf32>
      %reduce_max3A_527 = arith.constant dense<0xFF800000> : vector<16xf32>
      %reduce_max3A_528 = vector.multi_reduction <maximumf>, %select_n3A_526, %reduce_max3A_527 [1] : vector<16x2048xf32> to vector<16xf32>
      %broadcast_in_dim3A_529 = vector.shape_cast %reduce_max3A_528 : vector<16xf32> to vector<16x1xf32>
      %eq3A_530 = vector.broadcast %broadcast_in_dim3A_529 : vector<16x1xf32> to vector<16x2048xf32>
      %eq3A_531 = arith.cmpf oeq, %select_n3A_526, %eq3A_530 : vector<16x2048xf32>
      %jit3A_532 = arith.constant 2048 : i32
      %broadcast_in_dim3A_533 = vector.broadcast %jit3A_532 : i32 to vector<16x2048xi32>
      %select_n3A_534 = arith.select %eq3A_531, %iota3A, %broadcast_in_dim3A_533 : vector<16x2048xi1>, vector<16x2048xi32>
      %reduce_min3A_535 = arith.constant dense<2147483647> : vector<16xi32>
      %reduce_min3A_536 = vector.multi_reduction <minsi>, %select_n3A_534, %reduce_min3A_535 [1] : vector<16x2048xi32> to vector<16xi32>
      %broadcast_in_dim3A_537 = vector.shape_cast %reduce_min3A_536 : vector<16xi32> to vector<16x1xi32>
      %swap3A_538 = arith.constant 0 : index
      %swap3A_539 = arith.constant 20 : index
      %swap3A_540 = vector.load %arg4[%swap3A_538, %swap3A_539] : memref<16x64xi32, #tpu.memory_space<vmem>>, vector<16x1xi32>
      tpu.vector_store %arg4[%swap3A_538, %swap3A_539], %broadcast_in_dim3A_537 {strides = array<i32>} : memref<16x64xi32, #tpu.memory_space<vmem>>, vector<16x1xi32>,
      %eq3A_541 = vector.broadcast %broadcast_in_dim3A_537 : vector<16x1xi32> to vector<16x2048xi32>
      %eq3A_542 = arith.cmpi eq, %iota3A, %eq3A_541 : vector<16x2048xi32>
      %jit3A_543 = arith.constant 0xFF800000 : f32
      %broadcast_in_dim3A_544 = vector.broadcast %jit3A_543 : f32 to vector<16x2048xf32>
      %select_n3A_545 = arith.select %eq3A_542, %broadcast_in_dim3A_544, %select_n3A_526 : vector<16x2048xi1>, vector<16x2048xf32>
      %reduce_max3A_546 = arith.constant dense<0xFF800000> : vector<16xf32>
      %reduce_max3A_547 = vector.multi_reduction <maximumf>, %select_n3A_545, %reduce_max3A_546 [1] : vector<16x2048xf32> to vector<16xf32>
      %broadcast_in_dim3A_548 = vector.shape_cast %reduce_max3A_547 : vector<16xf32> to vector<16x1xf32>
      %eq3A_549 = vector.broadcast %broadcast_in_dim3A_548 : vector<16x1xf32> to vector<16x2048xf32>
      %eq3A_550 = arith.cmpf oeq, %select_n3A_545, %eq3A_549 : vector<16x2048xf32>
      %jit3A_551 = arith.constant 2048 : i32
      %broadcast_in_dim3A_552 = vector.broadcast %jit3A_551 : i32 to vector<16x2048xi32>
      %select_n3A_553 = arith.select %eq3A_550, %iota3A, %broadcast_in_dim3A_552 : vector<16x2048xi1>, vector<16x2048xi32>
      %reduce_min3A_554 = arith.constant dense<2147483647> : vector<16xi32>
      %reduce_min3A_555 = vector.multi_reduction <minsi>, %select_n3A_553, %reduce_min3A_554 [1] : vector<16x2048xi32> to vector<16xi32>
      %broadcast_in_dim3A_556 = vector.shape_cast %reduce_min3A_555 : vector<16xi32> to vector<16x1xi32>
      %swap3A_557 = arith.constant 0 : index
      %swap3A_558 = arith.constant 21 : index
      %swap3A_559 = vector.load %arg4[%swap3A_557, %swap3A_558] : memref<16x64xi32, #tpu.memory_space<vmem>>, vector<16x1xi32>
      tpu.vector_store %arg4[%swap3A_557, %swap3A_558], %broadcast_in_dim3A_556 {strides = array<i32>} : memref<16x64xi32, #tpu.memory_space<vmem>>, vector<16x1xi32>,
      %eq3A_560 = vector.broadcast %broadcast_in_dim3A_556 : vector<16x1xi32> to vector<16x2048xi32>
      %eq3A_561 = arith.cmpi eq, %iota3A, %eq3A_560 : vector<16x2048xi32>
      %jit3A_562 = arith.constant 0xFF800000 : f32
      %broadcast_in_dim3A_563 = vector.broadcast %jit3A_562 : f32 to vector<16x2048xf32>
      %select_n3A_564 = arith.select %eq3A_561, %broadcast_in_dim3A_563, %select_n3A_545 : vector<16x2048xi1>, vector<16x2048xf32>
      %reduce_max3A_565 = arith.constant dense<0xFF800000> : vector<16xf32>
      %reduce_max3A_566 = vector.multi_reduction <maximumf>, %select_n3A_564, %reduce_max3A_565 [1] : vector<16x2048xf32> to vector<16xf32>
      %broadcast_in_dim3A_567 = vector.shape_cast %reduce_max3A_566 : vector<16xf32> to vector<16x1xf32>
      %eq3A_568 = vector.broadcast %broadcast_in_dim3A_567 : vector<16x1xf32> to vector<16x2048xf32>
      %eq3A_569 = arith.cmpf oeq, %select_n3A_564, %eq3A_568 : vector<16x2048xf32>
      %jit3A_570 = arith.constant 2048 : i32
      %broadcast_in_dim3A_571 = vector.broadcast %jit3A_570 : i32 to vector<16x2048xi32>
      %select_n3A_572 = arith.select %eq3A_569, %iota3A, %broadcast_in_dim3A_571 : vector<16x2048xi1>, vector<16x2048xi32>
      %reduce_min3A_573 = arith.constant dense<2147483647> : vector<16xi32>
      %reduce_min3A_574 = vector.multi_reduction <minsi>, %select_n3A_572, %reduce_min3A_573 [1] : vector<16x2048xi32> to vector<16xi32>
      %broadcast_in_dim3A_575 = vector.shape_cast %reduce_min3A_574 : vector<16xi32> to vector<16x1xi32>
      %swap3A_576 = arith.constant 0 : index
      %swap3A_577 = arith.constant 22 : index
      %swap3A_578 = vector.load %arg4[%swap3A_576, %swap3A_577] : memref<16x64xi32, #tpu.memory_space<vmem>>, vector<16x1xi32>
      tpu.vector_store %arg4[%swap3A_576, %swap3A_577], %broadcast_in_dim3A_575 {strides = array<i32>} : memref<16x64xi32, #tpu.memory_space<vmem>>, vector<16x1xi32>,
      %eq3A_579 = vector.broadcast %broadcast_in_dim3A_575 : vector<16x1xi32> to vector<16x2048xi32>
      %eq3A_580 = arith.cmpi eq, %iota3A, %eq3A_579 : vector<16x2048xi32>
      %jit3A_581 = arith.constant 0xFF800000 : f32
      %broadcast_in_dim3A_582 = vector.broadcast %jit3A_581 : f32 to vector<16x2048xf32>
      %select_n3A_583 = arith.select %eq3A_580, %broadcast_in_dim3A_582, %select_n3A_564 : vector<16x2048xi1>, vector<16x2048xf32>
      %reduce_max3A_584 = arith.constant dense<0xFF800000> : vector<16xf32>
      %reduce_max3A_585 = vector.multi_reduction <maximumf>, %select_n3A_583, %reduce_max3A_584 [1] : vector<16x2048xf32> to vector<16xf32>
      %broadcast_in_dim3A_586 = vector.shape_cast %reduce_max3A_585 : vector<16xf32> to vector<16x1xf32>
      %eq3A_587 = vector.broadcast %broadcast_in_dim3A_586 : vector<16x1xf32> to vector<16x2048xf32>
      %eq3A_588 = arith.cmpf oeq, %select_n3A_583, %eq3A_587 : vector<16x2048xf32>
      %jit3A_589 = arith.constant 2048 : i32
      %broadcast_in_dim3A_590 = vector.broadcast %jit3A_589 : i32 to vector<16x2048xi32>
      %select_n3A_591 = arith.select %eq3A_588, %iota3A, %broadcast_in_dim3A_590 : vector<16x2048xi1>, vector<16x2048xi32>
      %reduce_min3A_592 = arith.constant dense<2147483647> : vector<16xi32>
      %reduce_min3A_593 = vector.multi_reduction <minsi>, %select_n3A_591, %reduce_min3A_592 [1] : vector<16x2048xi32> to vector<16xi32>
      %broadcast_in_dim3A_594 = vector.shape_cast %reduce_min3A_593 : vector<16xi32> to vector<16x1xi32>
      %swap3A_595 = arith.constant 0 : index
      %swap3A_596 = arith.constant 23 : index
      %swap3A_597 = vector.load %arg4[%swap3A_595, %swap3A_596] : memref<16x64xi32, #tpu.memory_space<vmem>>, vector<16x1xi32>
      tpu.vector_store %arg4[%swap3A_595, %swap3A_596], %broadcast_in_dim3A_594 {strides = array<i32>} : memref<16x64xi32, #tpu.memory_space<vmem>>, vector<16x1xi32>,
      %eq3A_598 = vector.broadcast %broadcast_in_dim3A_594 : vector<16x1xi32> to vector<16x2048xi32>
      %eq3A_599 = arith.cmpi eq, %iota3A, %eq3A_598 : vector<16x2048xi32>
      %jit3A_600 = arith.constant 0xFF800000 : f32
      %broadcast_in_dim3A_601 = vector.broadcast %jit3A_600 : f32 to vector<16x2048xf32>
      %select_n3A_602 = arith.select %eq3A_599, %broadcast_in_dim3A_601, %select_n3A_583 : vector<16x2048xi1>, vector<16x2048xf32>
      %reduce_max3A_603 = arith.constant dense<0xFF800000> : vector<16xf32>
      %reduce_max3A_604 = vector.multi_reduction <maximumf>, %select_n3A_602, %reduce_max3A_603 [1] : vector<16x2048xf32> to vector<16xf32>
      %broadcast_in_dim3A_605 = vector.shape_cast %reduce_max3A_604 : vector<16xf32> to vector<16x1xf32>
      %eq3A_606 = vector.broadcast %broadcast_in_dim3A_605 : vector<16x1xf32> to vector<16x2048xf32>
      %eq3A_607 = arith.cmpf oeq, %select_n3A_602, %eq3A_606 : vector<16x2048xf32>
      %jit3A_608 = arith.constant 2048 : i32
      %broadcast_in_dim3A_609 = vector.broadcast %jit3A_608 : i32 to vector<16x2048xi32>
      %select_n3A_610 = arith.select %eq3A_607, %iota3A, %broadcast_in_dim3A_609 : vector<16x2048xi1>, vector<16x2048xi32>
      %reduce_min3A_611 = arith.constant dense<2147483647> : vector<16xi32>
      %reduce_min3A_612 = vector.multi_reduction <minsi>, %select_n3A_610, %reduce_min3A_611 [1] : vector<16x2048xi32> to vector<16xi32>
      %broadcast_in_dim3A_613 = vector.shape_cast %reduce_min3A_612 : vector<16xi32> to vector<16x1xi32>
      %swap3A_614 = arith.constant 0 : index
      %swap3A_615 = arith.constant 24 : index
      %swap3A_616 = vector.load %arg4[%swap3A_614, %swap3A_615] : memref<16x64xi32, #tpu.memory_space<vmem>>, vector<16x1xi32>
      tpu.vector_store %arg4[%swap3A_614, %swap3A_615], %broadcast_in_dim3A_613 {strides = array<i32>} : memref<16x64xi32, #tpu.memory_space<vmem>>, vector<16x1xi32>,
      %eq3A_617 = vector.broadcast %broadcast_in_dim3A_613 : vector<16x1xi32> to vector<16x2048xi32>
      %eq3A_618 = arith.cmpi eq, %iota3A, %eq3A_617 : vector<16x2048xi32>
      %jit3A_619 = arith.constant 0xFF800000 : f32
      %broadcast_in_dim3A_620 = vector.broadcast %jit3A_619 : f32 to vector<16x2048xf32>
      %select_n3A_621 = arith.select %eq3A_618, %broadcast_in_dim3A_620, %select_n3A_602 : vector<16x2048xi1>, vector<16x2048xf32>
      %reduce_max3A_622 = arith.constant dense<0xFF800000> : vector<16xf32>
      %reduce_max3A_623 = vector.multi_reduction <maximumf>, %select_n3A_621, %reduce_max3A_622 [1] : vector<16x2048xf32> to vector<16xf32>
      %broadcast_in_dim3A_624 = vector.shape_cast %reduce_max3A_623 : vector<16xf32> to vector<16x1xf32>
      %eq3A_625 = vector.broadcast %broadcast_in_dim3A_624 : vector<16x1xf32> to vector<16x2048xf32>
      %eq3A_626 = arith.cmpf oeq, %select_n3A_621, %eq3A_625 : vector<16x2048xf32>
      %jit3A_627 = arith.constant 2048 : i32
      %broadcast_in_dim3A_628 = vector.broadcast %jit3A_627 : i32 to vector<16x2048xi32>
      %select_n3A_629 = arith.select %eq3A_626, %iota3A, %broadcast_in_dim3A_628 : vector<16x2048xi1>, vector<16x2048xi32>
      %reduce_min3A_630 = arith.constant dense<2147483647> : vector<16xi32>
      %reduce_min3A_631 = vector.multi_reduction <minsi>, %select_n3A_629, %reduce_min3A_630 [1] : vector<16x2048xi32> to vector<16xi32>
      %broadcast_in_dim3A_632 = vector.shape_cast %reduce_min3A_631 : vector<16xi32> to vector<16x1xi32>
      %swap3A_633 = arith.constant 0 : index
      %swap3A_634 = arith.constant 25 : index
      %swap3A_635 = vector.load %arg4[%swap3A_633, %swap3A_634] : memref<16x64xi32, #tpu.memory_space<vmem>>, vector<16x1xi32>
      tpu.vector_store %arg4[%swap3A_633, %swap3A_634], %broadcast_in_dim3A_632 {strides = array<i32>} : memref<16x64xi32, #tpu.memory_space<vmem>>, vector<16x1xi32>,
      %eq3A_636 = vector.broadcast %broadcast_in_dim3A_632 : vector<16x1xi32> to vector<16x2048xi32>
      %eq3A_637 = arith.cmpi eq, %iota3A, %eq3A_636 : vector<16x2048xi32>
      %jit3A_638 = arith.constant 0xFF800000 : f32
      %broadcast_in_dim3A_639 = vector.broadcast %jit3A_638 : f32 to vector<16x2048xf32>
      %select_n3A_640 = arith.select %eq3A_637, %broadcast_in_dim3A_639, %select_n3A_621 : vector<16x2048xi1>, vector<16x2048xf32>
      %reduce_max3A_641 = arith.constant dense<0xFF800000> : vector<16xf32>
      %reduce_max3A_642 = vector.multi_reduction <maximumf>, %select_n3A_640, %reduce_max3A_641 [1] : vector<16x2048xf32> to vector<16xf32>
      %broadcast_in_dim3A_643 = vector.shape_cast %reduce_max3A_642 : vector<16xf32> to vector<16x1xf32>
      %eq3A_644 = vector.broadcast %broadcast_in_dim3A_643 : vector<16x1xf32> to vector<16x2048xf32>
      %eq3A_645 = arith.cmpf oeq, %select_n3A_640, %eq3A_644 : vector<16x2048xf32>
      %jit3A_646 = arith.constant 2048 : i32
      %broadcast_in_dim3A_647 = vector.broadcast %jit3A_646 : i32 to vector<16x2048xi32>
      %select_n3A_648 = arith.select %eq3A_645, %iota3A, %broadcast_in_dim3A_647 : vector<16x2048xi1>, vector<16x2048xi32>
      %reduce_min3A_649 = arith.constant dense<2147483647> : vector<16xi32>
      %reduce_min3A_650 = vector.multi_reduction <minsi>, %select_n3A_648, %reduce_min3A_649 [1] : vector<16x2048xi32> to vector<16xi32>
      %broadcast_in_dim3A_651 = vector.shape_cast %reduce_min3A_650 : vector<16xi32> to vector<16x1xi32>
      %swap3A_652 = arith.constant 0 : index
      %swap3A_653 = arith.constant 26 : index
      %swap3A_654 = vector.load %arg4[%swap3A_652, %swap3A_653] : memref<16x64xi32, #tpu.memory_space<vmem>>, vector<16x1xi32>
      tpu.vector_store %arg4[%swap3A_652, %swap3A_653], %broadcast_in_dim3A_651 {strides = array<i32>} : memref<16x64xi32, #tpu.memory_space<vmem>>, vector<16x1xi32>,
      %eq3A_655 = vector.broadcast %broadcast_in_dim3A_651 : vector<16x1xi32> to vector<16x2048xi32>
      %eq3A_656 = arith.cmpi eq, %iota3A, %eq3A_655 : vector<16x2048xi32>
      %jit3A_657 = arith.constant 0xFF800000 : f32
      %broadcast_in_dim3A_658 = vector.broadcast %jit3A_657 : f32 to vector<16x2048xf32>
      %select_n3A_659 = arith.select %eq3A_656, %broadcast_in_dim3A_658, %select_n3A_640 : vector<16x2048xi1>, vector<16x2048xf32>
      %reduce_max3A_660 = arith.constant dense<0xFF800000> : vector<16xf32>
      %reduce_max3A_661 = vector.multi_reduction <maximumf>, %select_n3A_659, %reduce_max3A_660 [1] : vector<16x2048xf32> to vector<16xf32>
      %broadcast_in_dim3A_662 = vector.shape_cast %reduce_max3A_661 : vector<16xf32> to vector<16x1xf32>
      %eq3A_663 = vector.broadcast %broadcast_in_dim3A_662 : vector<16x1xf32> to vector<16x2048xf32>
      %eq3A_664 = arith.cmpf oeq, %select_n3A_659, %eq3A_663 : vector<16x2048xf32>
      %jit3A_665 = arith.constant 2048 : i32
      %broadcast_in_dim3A_666 = vector.broadcast %jit3A_665 : i32 to vector<16x2048xi32>
      %select_n3A_667 = arith.select %eq3A_664, %iota3A, %broadcast_in_dim3A_666 : vector<16x2048xi1>, vector<16x2048xi32>
      %reduce_min3A_668 = arith.constant dense<2147483647> : vector<16xi32>
      %reduce_min3A_669 = vector.multi_reduction <minsi>, %select_n3A_667, %reduce_min3A_668 [1] : vector<16x2048xi32> to vector<16xi32>
      %broadcast_in_dim3A_670 = vector.shape_cast %reduce_min3A_669 : vector<16xi32> to vector<16x1xi32>
      %swap3A_671 = arith.constant 0 : index
      %swap3A_672 = arith.constant 27 : index
      %swap3A_673 = vector.load %arg4[%swap3A_671, %swap3A_672] : memref<16x64xi32, #tpu.memory_space<vmem>>, vector<16x1xi32>
      tpu.vector_store %arg4[%swap3A_671, %swap3A_672], %broadcast_in_dim3A_670 {strides = array<i32>} : memref<16x64xi32, #tpu.memory_space<vmem>>, vector<16x1xi32>,
      %eq3A_674 = vector.broadcast %broadcast_in_dim3A_670 : vector<16x1xi32> to vector<16x2048xi32>
      %eq3A_675 = arith.cmpi eq, %iota3A, %eq3A_674 : vector<16x2048xi32>
      %jit3A_676 = arith.constant 0xFF800000 : f32
      %broadcast_in_dim3A_677 = vector.broadcast %jit3A_676 : f32 to vector<16x2048xf32>
      %select_n3A_678 = arith.select %eq3A_675, %broadcast_in_dim3A_677, %select_n3A_659 : vector<16x2048xi1>, vector<16x2048xf32>
      %reduce_max3A_679 = arith.constant dense<0xFF800000> : vector<16xf32>
      %reduce_max3A_680 = vector.multi_reduction <maximumf>, %select_n3A_678, %reduce_max3A_679 [1] : vector<16x2048xf32> to vector<16xf32>
      %broadcast_in_dim3A_681 = vector.shape_cast %reduce_max3A_680 : vector<16xf32> to vector<16x1xf32>
      %eq3A_682 = vector.broadcast %broadcast_in_dim3A_681 : vector<16x1xf32> to vector<16x2048xf32>
      %eq3A_683 = arith.cmpf oeq, %select_n3A_678, %eq3A_682 : vector<16x2048xf32>
      %jit3A_684 = arith.constant 2048 : i32
      %broadcast_in_dim3A_685 = vector.broadcast %jit3A_684 : i32 to vector<16x2048xi32>
      %select_n3A_686 = arith.select %eq3A_683, %iota3A, %broadcast_in_dim3A_685 : vector<16x2048xi1>, vector<16x2048xi32>
      %reduce_min3A_687 = arith.constant dense<2147483647> : vector<16xi32>
      %reduce_min3A_688 = vector.multi_reduction <minsi>, %select_n3A_686, %reduce_min3A_687 [1] : vector<16x2048xi32> to vector<16xi32>
      %broadcast_in_dim3A_689 = vector.shape_cast %reduce_min3A_688 : vector<16xi32> to vector<16x1xi32>
      %swap3A_690 = arith.constant 0 : index
      %swap3A_691 = arith.constant 28 : index
      %swap3A_692 = vector.load %arg4[%swap3A_690, %swap3A_691] : memref<16x64xi32, #tpu.memory_space<vmem>>, vector<16x1xi32>
      tpu.vector_store %arg4[%swap3A_690, %swap3A_691], %broadcast_in_dim3A_689 {strides = array<i32>} : memref<16x64xi32, #tpu.memory_space<vmem>>, vector<16x1xi32>,
      %eq3A_693 = vector.broadcast %broadcast_in_dim3A_689 : vector<16x1xi32> to vector<16x2048xi32>
      %eq3A_694 = arith.cmpi eq, %iota3A, %eq3A_693 : vector<16x2048xi32>
      %jit3A_695 = arith.constant 0xFF800000 : f32
      %broadcast_in_dim3A_696 = vector.broadcast %jit3A_695 : f32 to vector<16x2048xf32>
      %select_n3A_697 = arith.select %eq3A_694, %broadcast_in_dim3A_696, %select_n3A_678 : vector<16x2048xi1>, vector<16x2048xf32>
      %reduce_max3A_698 = arith.constant dense<0xFF800000> : vector<16xf32>
      %reduce_max3A_699 = vector.multi_reduction <maximumf>, %select_n3A_697, %reduce_max3A_698 [1] : vector<16x2048xf32> to vector<16xf32>
      %broadcast_in_dim3A_700 = vector.shape_cast %reduce_max3A_699 : vector<16xf32> to vector<16x1xf32>
      %eq3A_701 = vector.broadcast %broadcast_in_dim3A_700 : vector<16x1xf32> to vector<16x2048xf32>
      %eq3A_702 = arith.cmpf oeq, %select_n3A_697, %eq3A_701 : vector<16x2048xf32>
      %jit3A_703 = arith.constant 2048 : i32
      %broadcast_in_dim3A_704 = vector.broadcast %jit3A_703 : i32 to vector<16x2048xi32>
      %select_n3A_705 = arith.select %eq3A_702, %iota3A, %broadcast_in_dim3A_704 : vector<16x2048xi1>, vector<16x2048xi32>
      %reduce_min3A_706 = arith.constant dense<2147483647> : vector<16xi32>
      %reduce_min3A_707 = vector.multi_reduction <minsi>, %select_n3A_705, %reduce_min3A_706 [1] : vector<16x2048xi32> to vector<16xi32>
      %broadcast_in_dim3A_708 = vector.shape_cast %reduce_min3A_707 : vector<16xi32> to vector<16x1xi32>
      %swap3A_709 = arith.constant 0 : index
      %swap3A_710 = arith.constant 29 : index
      %swap3A_711 = vector.load %arg4[%swap3A_709, %swap3A_710] : memref<16x64xi32, #tpu.memory_space<vmem>>, vector<16x1xi32>
      tpu.vector_store %arg4[%swap3A_709, %swap3A_710], %broadcast_in_dim3A_708 {strides = array<i32>} : memref<16x64xi32, #tpu.memory_space<vmem>>, vector<16x1xi32>,
      %eq3A_712 = vector.broadcast %broadcast_in_dim3A_708 : vector<16x1xi32> to vector<16x2048xi32>
      %eq3A_713 = arith.cmpi eq, %iota3A, %eq3A_712 : vector<16x2048xi32>
      %jit3A_714 = arith.constant 0xFF800000 : f32
      %broadcast_in_dim3A_715 = vector.broadcast %jit3A_714 : f32 to vector<16x2048xf32>
      %select_n3A_716 = arith.select %eq3A_713, %broadcast_in_dim3A_715, %select_n3A_697 : vector<16x2048xi1>, vector<16x2048xf32>
      %reduce_max3A_717 = arith.constant dense<0xFF800000> : vector<16xf32>
      %reduce_max3A_718 = vector.multi_reduction <maximumf>, %select_n3A_716, %reduce_max3A_717 [1] : vector<16x2048xf32> to vector<16xf32>
      %broadcast_in_dim3A_719 = vector.shape_cast %reduce_max3A_718 : vector<16xf32> to vector<16x1xf32>
      %eq3A_720 = vector.broadcast %broadcast_in_dim3A_719 : vector<16x1xf32> to vector<16x2048xf32>
      %eq3A_721 = arith.cmpf oeq, %select_n3A_716, %eq3A_720 : vector<16x2048xf32>
      %jit3A_722 = arith.constant 2048 : i32
      %broadcast_in_dim3A_723 = vector.broadcast %jit3A_722 : i32 to vector<16x2048xi32>
      %select_n3A_724 = arith.select %eq3A_721, %iota3A, %broadcast_in_dim3A_723 : vector<16x2048xi1>, vector<16x2048xi32>
      %reduce_min3A_725 = arith.constant dense<2147483647> : vector<16xi32>
      %reduce_min3A_726 = vector.multi_reduction <minsi>, %select_n3A_724, %reduce_min3A_725 [1] : vector<16x2048xi32> to vector<16xi32>
      %broadcast_in_dim3A_727 = vector.shape_cast %reduce_min3A_726 : vector<16xi32> to vector<16x1xi32>
      %swap3A_728 = arith.constant 0 : index
      %swap3A_729 = arith.constant 30 : index
      %swap3A_730 = vector.load %arg4[%swap3A_728, %swap3A_729] : memref<16x64xi32, #tpu.memory_space<vmem>>, vector<16x1xi32>
      tpu.vector_store %arg4[%swap3A_728, %swap3A_729], %broadcast_in_dim3A_727 {strides = array<i32>} : memref<16x64xi32, #tpu.memory_space<vmem>>, vector<16x1xi32>,
      %eq3A_731 = vector.broadcast %broadcast_in_dim3A_727 : vector<16x1xi32> to vector<16x2048xi32>
      %eq3A_732 = arith.cmpi eq, %iota3A, %eq3A_731 : vector<16x2048xi32>
      %jit3A_733 = arith.constant 0xFF800000 : f32
      %broadcast_in_dim3A_734 = vector.broadcast %jit3A_733 : f32 to vector<16x2048xf32>
      %select_n3A_735 = arith.select %eq3A_732, %broadcast_in_dim3A_734, %select_n3A_716 : vector<16x2048xi1>, vector<16x2048xf32>
      %reduce_max3A_736 = arith.constant dense<0xFF800000> : vector<16xf32>
      %reduce_max3A_737 = vector.multi_reduction <maximumf>, %select_n3A_735, %reduce_max3A_736 [1] : vector<16x2048xf32> to vector<16xf32>
      %broadcast_in_dim3A_738 = vector.shape_cast %reduce_max3A_737 : vector<16xf32> to vector<16x1xf32>
      %eq3A_739 = vector.broadcast %broadcast_in_dim3A_738 : vector<16x1xf32> to vector<16x2048xf32>
      %eq3A_740 = arith.cmpf oeq, %select_n3A_735, %eq3A_739 : vector<16x2048xf32>
      %jit3A_741 = arith.constant 2048 : i32
      %broadcast_in_dim3A_742 = vector.broadcast %jit3A_741 : i32 to vector<16x2048xi32>
      %select_n3A_743 = arith.select %eq3A_740, %iota3A, %broadcast_in_dim3A_742 : vector<16x2048xi1>, vector<16x2048xi32>
      %reduce_min3A_744 = arith.constant dense<2147483647> : vector<16xi32>
      %reduce_min3A_745 = vector.multi_reduction <minsi>, %select_n3A_743, %reduce_min3A_744 [1] : vector<16x2048xi32> to vector<16xi32>
      %broadcast_in_dim3A_746 = vector.shape_cast %reduce_min3A_745 : vector<16xi32> to vector<16x1xi32>
      %swap3A_747 = arith.constant 0 : index
      %swap3A_748 = arith.constant 31 : index
      %swap3A_749 = vector.load %arg4[%swap3A_747, %swap3A_748] : memref<16x64xi32, #tpu.memory_space<vmem>>, vector<16x1xi32>
      tpu.vector_store %arg4[%swap3A_747, %swap3A_748], %broadcast_in_dim3A_746 {strides = array<i32>} : memref<16x64xi32, #tpu.memory_space<vmem>>, vector<16x1xi32>,
      %eq3A_750 = vector.broadcast %broadcast_in_dim3A_746 : vector<16x1xi32> to vector<16x2048xi32>
      %eq3A_751 = arith.cmpi eq, %iota3A, %eq3A_750 : vector<16x2048xi32>
      %jit3A_752 = arith.constant 0xFF800000 : f32
      %broadcast_in_dim3A_753 = vector.broadcast %jit3A_752 : f32 to vector<16x2048xf32>
      %select_n3A_754 = arith.select %eq3A_751, %broadcast_in_dim3A_753, %select_n3A_735 : vector<16x2048xi1>, vector<16x2048xf32>
      %reduce_max3A_755 = arith.constant dense<0xFF800000> : vector<16xf32>
      %reduce_max3A_756 = vector.multi_reduction <maximumf>, %select_n3A_754, %reduce_max3A_755 [1] : vector<16x2048xf32> to vector<16xf32>
      %broadcast_in_dim3A_757 = vector.shape_cast %reduce_max3A_756 : vector<16xf32> to vector<16x1xf32>
      %eq3A_758 = vector.broadcast %broadcast_in_dim3A_757 : vector<16x1xf32> to vector<16x2048xf32>
      %eq3A_759 = arith.cmpf oeq, %select_n3A_754, %eq3A_758 : vector<16x2048xf32>
      %jit3A_760 = arith.constant 2048 : i32
      %broadcast_in_dim3A_761 = vector.broadcast %jit3A_760 : i32 to vector<16x2048xi32>
      %select_n3A_762 = arith.select %eq3A_759, %iota3A, %broadcast_in_dim3A_761 : vector<16x2048xi1>, vector<16x2048xi32>
      %reduce_min3A_763 = arith.constant dense<2147483647> : vector<16xi32>
      %reduce_min3A_764 = vector.multi_reduction <minsi>, %select_n3A_762, %reduce_min3A_763 [1] : vector<16x2048xi32> to vector<16xi32>
      %broadcast_in_dim3A_765 = vector.shape_cast %reduce_min3A_764 : vector<16xi32> to vector<16x1xi32>
      %swap3A_766 = arith.constant 0 : index
      %swap3A_767 = arith.constant 32 : index
      %swap3A_768 = vector.load %arg4[%swap3A_766, %swap3A_767] : memref<16x64xi32, #tpu.memory_space<vmem>>, vector<16x1xi32>
      tpu.vector_store %arg4[%swap3A_766, %swap3A_767], %broadcast_in_dim3A_765 {strides = array<i32>} : memref<16x64xi32, #tpu.memory_space<vmem>>, vector<16x1xi32>,
      %eq3A_769 = vector.broadcast %broadcast_in_dim3A_765 : vector<16x1xi32> to vector<16x2048xi32>
      %eq3A_770 = arith.cmpi eq, %iota3A, %eq3A_769 : vector<16x2048xi32>
      %jit3A_771 = arith.constant 0xFF800000 : f32
      %broadcast_in_dim3A_772 = vector.broadcast %jit3A_771 : f32 to vector<16x2048xf32>
      %select_n3A_773 = arith.select %eq3A_770, %broadcast_in_dim3A_772, %select_n3A_754 : vector<16x2048xi1>, vector<16x2048xf32>
      %reduce_max3A_774 = arith.constant dense<0xFF800000> : vector<16xf32>
      %reduce_max3A_775 = vector.multi_reduction <maximumf>, %select_n3A_773, %reduce_max3A_774 [1] : vector<16x2048xf32> to vector<16xf32>
      %broadcast_in_dim3A_776 = vector.shape_cast %reduce_max3A_775 : vector<16xf32> to vector<16x1xf32>
      %eq3A_777 = vector.broadcast %broadcast_in_dim3A_776 : vector<16x1xf32> to vector<16x2048xf32>
      %eq3A_778 = arith.cmpf oeq, %select_n3A_773, %eq3A_777 : vector<16x2048xf32>
      %jit3A_779 = arith.constant 2048 : i32
      %broadcast_in_dim3A_780 = vector.broadcast %jit3A_779 : i32 to vector<16x2048xi32>
      %select_n3A_781 = arith.select %eq3A_778, %iota3A, %broadcast_in_dim3A_780 : vector<16x2048xi1>, vector<16x2048xi32>
      %reduce_min3A_782 = arith.constant dense<2147483647> : vector<16xi32>
      %reduce_min3A_783 = vector.multi_reduction <minsi>, %select_n3A_781, %reduce_min3A_782 [1] : vector<16x2048xi32> to vector<16xi32>
      %broadcast_in_dim3A_784 = vector.shape_cast %reduce_min3A_783 : vector<16xi32> to vector<16x1xi32>
      %swap3A_785 = arith.constant 0 : index
      %swap3A_786 = arith.constant 33 : index
      %swap3A_787 = vector.load %arg4[%swap3A_785, %swap3A_786] : memref<16x64xi32, #tpu.memory_space<vmem>>, vector<16x1xi32>
      tpu.vector_store %arg4[%swap3A_785, %swap3A_786], %broadcast_in_dim3A_784 {strides = array<i32>} : memref<16x64xi32, #tpu.memory_space<vmem>>, vector<16x1xi32>,
      %eq3A_788 = vector.broadcast %broadcast_in_dim3A_784 : vector<16x1xi32> to vector<16x2048xi32>
      %eq3A_789 = arith.cmpi eq, %iota3A, %eq3A_788 : vector<16x2048xi32>
      %jit3A_790 = arith.constant 0xFF800000 : f32
      %broadcast_in_dim3A_791 = vector.broadcast %jit3A_790 : f32 to vector<16x2048xf32>
      %select_n3A_792 = arith.select %eq3A_789, %broadcast_in_dim3A_791, %select_n3A_773 : vector<16x2048xi1>, vector<16x2048xf32>
      %reduce_max3A_793 = arith.constant dense<0xFF800000> : vector<16xf32>
      %reduce_max3A_794 = vector.multi_reduction <maximumf>, %select_n3A_792, %reduce_max3A_793 [1] : vector<16x2048xf32> to vector<16xf32>
      %broadcast_in_dim3A_795 = vector.shape_cast %reduce_max3A_794 : vector<16xf32> to vector<16x1xf32>
      %eq3A_796 = vector.broadcast %broadcast_in_dim3A_795 : vector<16x1xf32> to vector<16x2048xf32>
      %eq3A_797 = arith.cmpf oeq, %select_n3A_792, %eq3A_796 : vector<16x2048xf32>
      %jit3A_798 = arith.constant 2048 : i32
      %broadcast_in_dim3A_799 = vector.broadcast %jit3A_798 : i32 to vector<16x2048xi32>
      %select_n3A_800 = arith.select %eq3A_797, %iota3A, %broadcast_in_dim3A_799 : vector<16x2048xi1>, vector<16x2048xi32>
      %reduce_min3A_801 = arith.constant dense<2147483647> : vector<16xi32>
      %reduce_min3A_802 = vector.multi_reduction <minsi>, %select_n3A_800, %reduce_min3A_801 [1] : vector<16x2048xi32> to vector<16xi32>
      %broadcast_in_dim3A_803 = vector.shape_cast %reduce_min3A_802 : vector<16xi32> to vector<16x1xi32>
      %swap3A_804 = arith.constant 0 : index
      %swap3A_805 = arith.constant 34 : index
      %swap3A_806 = vector.load %arg4[%swap3A_804, %swap3A_805] : memref<16x64xi32, #tpu.memory_space<vmem>>, vector<16x1xi32>
      tpu.vector_store %arg4[%swap3A_804, %swap3A_805], %broadcast_in_dim3A_803 {strides = array<i32>} : memref<16x64xi32, #tpu.memory_space<vmem>>, vector<16x1xi32>,
      %eq3A_807 = vector.broadcast %broadcast_in_dim3A_803 : vector<16x1xi32> to vector<16x2048xi32>
      %eq3A_808 = arith.cmpi eq, %iota3A, %eq3A_807 : vector<16x2048xi32>
      %jit3A_809 = arith.constant 0xFF800000 : f32
      %broadcast_in_dim3A_810 = vector.broadcast %jit3A_809 : f32 to vector<16x2048xf32>
      %select_n3A_811 = arith.select %eq3A_808, %broadcast_in_dim3A_810, %select_n3A_792 : vector<16x2048xi1>, vector<16x2048xf32>
      %reduce_max3A_812 = arith.constant dense<0xFF800000> : vector<16xf32>
      %reduce_max3A_813 = vector.multi_reduction <maximumf>, %select_n3A_811, %reduce_max3A_812 [1] : vector<16x2048xf32> to vector<16xf32>
      %broadcast_in_dim3A_814 = vector.shape_cast %reduce_max3A_813 : vector<16xf32> to vector<16x1xf32>
      %eq3A_815 = vector.broadcast %broadcast_in_dim3A_814 : vector<16x1xf32> to vector<16x2048xf32>
      %eq3A_816 = arith.cmpf oeq, %select_n3A_811, %eq3A_815 : vector<16x2048xf32>
      %jit3A_817 = arith.constant 2048 : i32
      %broadcast_in_dim3A_818 = vector.broadcast %jit3A_817 : i32 to vector<16x2048xi32>
      %select_n3A_819 = arith.select %eq3A_816, %iota3A, %broadcast_in_dim3A_818 : vector<16x2048xi1>, vector<16x2048xi32>
      %reduce_min3A_820 = arith.constant dense<2147483647> : vector<16xi32>
      %reduce_min3A_821 = vector.multi_reduction <minsi>, %select_n3A_819, %reduce_min3A_820 [1] : vector<16x2048xi32> to vector<16xi32>
      %broadcast_in_dim3A_822 = vector.shape_cast %reduce_min3A_821 : vector<16xi32> to vector<16x1xi32>
      %swap3A_823 = arith.constant 0 : index
      %swap3A_824 = arith.constant 35 : index
      %swap3A_825 = vector.load %arg4[%swap3A_823, %swap3A_824] : memref<16x64xi32, #tpu.memory_space<vmem>>, vector<16x1xi32>
      tpu.vector_store %arg4[%swap3A_823, %swap3A_824], %broadcast_in_dim3A_822 {strides = array<i32>} : memref<16x64xi32, #tpu.memory_space<vmem>>, vector<16x1xi32>,
      %eq3A_826 = vector.broadcast %broadcast_in_dim3A_822 : vector<16x1xi32> to vector<16x2048xi32>
      %eq3A_827 = arith.cmpi eq, %iota3A, %eq3A_826 : vector<16x2048xi32>
      %jit3A_828 = arith.constant 0xFF800000 : f32
      %broadcast_in_dim3A_829 = vector.broadcast %jit3A_828 : f32 to vector<16x2048xf32>
      %select_n3A_830 = arith.select %eq3A_827, %broadcast_in_dim3A_829, %select_n3A_811 : vector<16x2048xi1>, vector<16x2048xf32>
      %reduce_max3A_831 = arith.constant dense<0xFF800000> : vector<16xf32>
      %reduce_max3A_832 = vector.multi_reduction <maximumf>, %select_n3A_830, %reduce_max3A_831 [1] : vector<16x2048xf32> to vector<16xf32>
      %broadcast_in_dim3A_833 = vector.shape_cast %reduce_max3A_832 : vector<16xf32> to vector<16x1xf32>
      %eq3A_834 = vector.broadcast %broadcast_in_dim3A_833 : vector<16x1xf32> to vector<16x2048xf32>
      %eq3A_835 = arith.cmpf oeq, %select_n3A_830, %eq3A_834 : vector<16x2048xf32>
      %jit3A_836 = arith.constant 2048 : i32
      %broadcast_in_dim3A_837 = vector.broadcast %jit3A_836 : i32 to vector<16x2048xi32>
      %select_n3A_838 = arith.select %eq3A_835, %iota3A, %broadcast_in_dim3A_837 : vector<16x2048xi1>, vector<16x2048xi32>
      %reduce_min3A_839 = arith.constant dense<2147483647> : vector<16xi32>
      %reduce_min3A_840 = vector.multi_reduction <minsi>, %select_n3A_838, %reduce_min3A_839 [1] : vector<16x2048xi32> to vector<16xi32>
      %broadcast_in_dim3A_841 = vector.shape_cast %reduce_min3A_840 : vector<16xi32> to vector<16x1xi32>
      %swap3A_842 = arith.constant 0 : index
      %swap3A_843 = arith.constant 36 : index
      %swap3A_844 = vector.load %arg4[%swap3A_842, %swap3A_843] : memref<16x64xi32, #tpu.memory_space<vmem>>, vector<16x1xi32>
      tpu.vector_store %arg4[%swap3A_842, %swap3A_843], %broadcast_in_dim3A_841 {strides = array<i32>} : memref<16x64xi32, #tpu.memory_space<vmem>>, vector<16x1xi32>,
      %eq3A_845 = vector.broadcast %broadcast_in_dim3A_841 : vector<16x1xi32> to vector<16x2048xi32>
      %eq3A_846 = arith.cmpi eq, %iota3A, %eq3A_845 : vector<16x2048xi32>
      %jit3A_847 = arith.constant 0xFF800000 : f32
      %broadcast_in_dim3A_848 = vector.broadcast %jit3A_847 : f32 to vector<16x2048xf32>
      %select_n3A_849 = arith.select %eq3A_846, %broadcast_in_dim3A_848, %select_n3A_830 : vector<16x2048xi1>, vector<16x2048xf32>
      %reduce_max3A_850 = arith.constant dense<0xFF800000> : vector<16xf32>
      %reduce_max3A_851 = vector.multi_reduction <maximumf>, %select_n3A_849, %reduce_max3A_850 [1] : vector<16x2048xf32> to vector<16xf32>
      %broadcast_in_dim3A_852 = vector.shape_cast %reduce_max3A_851 : vector<16xf32> to vector<16x1xf32>
      %eq3A_853 = vector.broadcast %broadcast_in_dim3A_852 : vector<16x1xf32> to vector<16x2048xf32>
      %eq3A_854 = arith.cmpf oeq, %select_n3A_849, %eq3A_853 : vector<16x2048xf32>
      %jit3A_855 = arith.constant 2048 : i32
      %broadcast_in_dim3A_856 = vector.broadcast %jit3A_855 : i32 to vector<16x2048xi32>
      %select_n3A_857 = arith.select %eq3A_854, %iota3A, %broadcast_in_dim3A_856 : vector<16x2048xi1>, vector<16x2048xi32>
      %reduce_min3A_858 = arith.constant dense<2147483647> : vector<16xi32>
      %reduce_min3A_859 = vector.multi_reduction <minsi>, %select_n3A_857, %reduce_min3A_858 [1] : vector<16x2048xi32> to vector<16xi32>
      %broadcast_in_dim3A_860 = vector.shape_cast %reduce_min3A_859 : vector<16xi32> to vector<16x1xi32>
      %swap3A_861 = arith.constant 0 : index
      %swap3A_862 = arith.constant 37 : index
      %swap3A_863 = vector.load %arg4[%swap3A_861, %swap3A_862] : memref<16x64xi32, #tpu.memory_space<vmem>>, vector<16x1xi32>
      tpu.vector_store %arg4[%swap3A_861, %swap3A_862], %broadcast_in_dim3A_860 {strides = array<i32>} : memref<16x64xi32, #tpu.memory_space<vmem>>, vector<16x1xi32>,
      %eq3A_864 = vector.broadcast %broadcast_in_dim3A_860 : vector<16x1xi32> to vector<16x2048xi32>
      %eq3A_865 = arith.cmpi eq, %iota3A, %eq3A_864 : vector<16x2048xi32>
      %jit3A_866 = arith.constant 0xFF800000 : f32
      %broadcast_in_dim3A_867 = vector.broadcast %jit3A_866 : f32 to vector<16x2048xf32>
      %select_n3A_868 = arith.select %eq3A_865, %broadcast_in_dim3A_867, %select_n3A_849 : vector<16x2048xi1>, vector<16x2048xf32>
      %reduce_max3A_869 = arith.constant dense<0xFF800000> : vector<16xf32>
      %reduce_max3A_870 = vector.multi_reduction <maximumf>, %select_n3A_868, %reduce_max3A_869 [1] : vector<16x2048xf32> to vector<16xf32>
      %broadcast_in_dim3A_871 = vector.shape_cast %reduce_max3A_870 : vector<16xf32> to vector<16x1xf32>
      %eq3A_872 = vector.broadcast %broadcast_in_dim3A_871 : vector<16x1xf32> to vector<16x2048xf32>
      %eq3A_873 = arith.cmpf oeq, %select_n3A_868, %eq3A_872 : vector<16x2048xf32>
      %jit3A_874 = arith.constant 2048 : i32
      %broadcast_in_dim3A_875 = vector.broadcast %jit3A_874 : i32 to vector<16x2048xi32>
      %select_n3A_876 = arith.select %eq3A_873, %iota3A, %broadcast_in_dim3A_875 : vector<16x2048xi1>, vector<16x2048xi32>
      %reduce_min3A_877 = arith.constant dense<2147483647> : vector<16xi32>
      %reduce_min3A_878 = vector.multi_reduction <minsi>, %select_n3A_876, %reduce_min3A_877 [1] : vector<16x2048xi32> to vector<16xi32>
      %broadcast_in_dim3A_879 = vector.shape_cast %reduce_min3A_878 : vector<16xi32> to vector<16x1xi32>
      %swap3A_880 = arith.constant 0 : index
      %swap3A_881 = arith.constant 38 : index
      %swap3A_882 = vector.load %arg4[%swap3A_880, %swap3A_881] : memref<16x64xi32, #tpu.memory_space<vmem>>, vector<16x1xi32>
      tpu.vector_store %arg4[%swap3A_880, %swap3A_881], %broadcast_in_dim3A_879 {strides = array<i32>} : memref<16x64xi32, #tpu.memory_space<vmem>>, vector<16x1xi32>,
      %eq3A_883 = vector.broadcast %broadcast_in_dim3A_879 : vector<16x1xi32> to vector<16x2048xi32>
      %eq3A_884 = arith.cmpi eq, %iota3A, %eq3A_883 : vector<16x2048xi32>
      %jit3A_885 = arith.constant 0xFF800000 : f32
      %broadcast_in_dim3A_886 = vector.broadcast %jit3A_885 : f32 to vector<16x2048xf32>
      %select_n3A_887 = arith.select %eq3A_884, %broadcast_in_dim3A_886, %select_n3A_868 : vector<16x2048xi1>, vector<16x2048xf32>
      %reduce_max3A_888 = arith.constant dense<0xFF800000> : vector<16xf32>
      %reduce_max3A_889 = vector.multi_reduction <maximumf>, %select_n3A_887, %reduce_max3A_888 [1] : vector<16x2048xf32> to vector<16xf32>
      %broadcast_in_dim3A_890 = vector.shape_cast %reduce_max3A_889 : vector<16xf32> to vector<16x1xf32>
      %eq3A_891 = vector.broadcast %broadcast_in_dim3A_890 : vector<16x1xf32> to vector<16x2048xf32>
      %eq3A_892 = arith.cmpf oeq, %select_n3A_887, %eq3A_891 : vector<16x2048xf32>
      %jit3A_893 = arith.constant 2048 : i32
      %broadcast_in_dim3A_894 = vector.broadcast %jit3A_893 : i32 to vector<16x2048xi32>
      %select_n3A_895 = arith.select %eq3A_892, %iota3A, %broadcast_in_dim3A_894 : vector<16x2048xi1>, vector<16x2048xi32>
      %reduce_min3A_896 = arith.constant dense<2147483647> : vector<16xi32>
      %reduce_min3A_897 = vector.multi_reduction <minsi>, %select_n3A_895, %reduce_min3A_896 [1] : vector<16x2048xi32> to vector<16xi32>
      %broadcast_in_dim3A_898 = vector.shape_cast %reduce_min3A_897 : vector<16xi32> to vector<16x1xi32>
      %swap3A_899 = arith.constant 0 : index
      %swap3A_900 = arith.constant 39 : index
      %swap3A_901 = vector.load %arg4[%swap3A_899, %swap3A_900] : memref<16x64xi32, #tpu.memory_space<vmem>>, vector<16x1xi32>
      tpu.vector_store %arg4[%swap3A_899, %swap3A_900], %broadcast_in_dim3A_898 {strides = array<i32>} : memref<16x64xi32, #tpu.memory_space<vmem>>, vector<16x1xi32>,
      %eq3A_902 = vector.broadcast %broadcast_in_dim3A_898 : vector<16x1xi32> to vector<16x2048xi32>
      %eq3A_903 = arith.cmpi eq, %iota3A, %eq3A_902 : vector<16x2048xi32>
      %jit3A_904 = arith.constant 0xFF800000 : f32
      %broadcast_in_dim3A_905 = vector.broadcast %jit3A_904 : f32 to vector<16x2048xf32>
      %select_n3A_906 = arith.select %eq3A_903, %broadcast_in_dim3A_905, %select_n3A_887 : vector<16x2048xi1>, vector<16x2048xf32>
      %reduce_max3A_907 = arith.constant dense<0xFF800000> : vector<16xf32>
      %reduce_max3A_908 = vector.multi_reduction <maximumf>, %select_n3A_906, %reduce_max3A_907 [1] : vector<16x2048xf32> to vector<16xf32>
      %broadcast_in_dim3A_909 = vector.shape_cast %reduce_max3A_908 : vector<16xf32> to vector<16x1xf32>
      %eq3A_910 = vector.broadcast %broadcast_in_dim3A_909 : vector<16x1xf32> to vector<16x2048xf32>
      %eq3A_911 = arith.cmpf oeq, %select_n3A_906, %eq3A_910 : vector<16x2048xf32>
      %jit3A_912 = arith.constant 2048 : i32
      %broadcast_in_dim3A_913 = vector.broadcast %jit3A_912 : i32 to vector<16x2048xi32>
      %select_n3A_914 = arith.select %eq3A_911, %iota3A, %broadcast_in_dim3A_913 : vector<16x2048xi1>, vector<16x2048xi32>
      %reduce_min3A_915 = arith.constant dense<2147483647> : vector<16xi32>
      %reduce_min3A_916 = vector.multi_reduction <minsi>, %select_n3A_914, %reduce_min3A_915 [1] : vector<16x2048xi32> to vector<16xi32>
      %broadcast_in_dim3A_917 = vector.shape_cast %reduce_min3A_916 : vector<16xi32> to vector<16x1xi32>
      %swap3A_918 = arith.constant 0 : index
      %swap3A_919 = arith.constant 40 : index
      %swap3A_920 = vector.load %arg4[%swap3A_918, %swap3A_919] : memref<16x64xi32, #tpu.memory_space<vmem>>, vector<16x1xi32>
      tpu.vector_store %arg4[%swap3A_918, %swap3A_919], %broadcast_in_dim3A_917 {strides = array<i32>} : memref<16x64xi32, #tpu.memory_space<vmem>>, vector<16x1xi32>,
      %eq3A_921 = vector.broadcast %broadcast_in_dim3A_917 : vector<16x1xi32> to vector<16x2048xi32>
      %eq3A_922 = arith.cmpi eq, %iota3A, %eq3A_921 : vector<16x2048xi32>
      %jit3A_923 = arith.constant 0xFF800000 : f32
      %broadcast_in_dim3A_924 = vector.broadcast %jit3A_923 : f32 to vector<16x2048xf32>
      %select_n3A_925 = arith.select %eq3A_922, %broadcast_in_dim3A_924, %select_n3A_906 : vector<16x2048xi1>, vector<16x2048xf32>
      %reduce_max3A_926 = arith.constant dense<0xFF800000> : vector<16xf32>
      %reduce_max3A_927 = vector.multi_reduction <maximumf>, %select_n3A_925, %reduce_max3A_926 [1] : vector<16x2048xf32> to vector<16xf32>
      %broadcast_in_dim3A_928 = vector.shape_cast %reduce_max3A_927 : vector<16xf32> to vector<16x1xf32>
      %eq3A_929 = vector.broadcast %broadcast_in_dim3A_928 : vector<16x1xf32> to vector<16x2048xf32>
      %eq3A_930 = arith.cmpf oeq, %select_n3A_925, %eq3A_929 : vector<16x2048xf32>
      %jit3A_931 = arith.constant 2048 : i32
      %broadcast_in_dim3A_932 = vector.broadcast %jit3A_931 : i32 to vector<16x2048xi32>
      %select_n3A_933 = arith.select %eq3A_930, %iota3A, %broadcast_in_dim3A_932 : vector<16x2048xi1>, vector<16x2048xi32>
      %reduce_min3A_934 = arith.constant dense<2147483647> : vector<16xi32>
      %reduce_min3A_935 = vector.multi_reduction <minsi>, %select_n3A_933, %reduce_min3A_934 [1] : vector<16x2048xi32> to vector<16xi32>
      %broadcast_in_dim3A_936 = vector.shape_cast %reduce_min3A_935 : vector<16xi32> to vector<16x1xi32>
      %swap3A_937 = arith.constant 0 : index
      %swap3A_938 = arith.constant 41 : index
      %swap3A_939 = vector.load %arg4[%swap3A_937, %swap3A_938] : memref<16x64xi32, #tpu.memory_space<vmem>>, vector<16x1xi32>
      tpu.vector_store %arg4[%swap3A_937, %swap3A_938], %broadcast_in_dim3A_936 {strides = array<i32>} : memref<16x64xi32, #tpu.memory_space<vmem>>, vector<16x1xi32>,
      %eq3A_940 = vector.broadcast %broadcast_in_dim3A_936 : vector<16x1xi32> to vector<16x2048xi32>
      %eq3A_941 = arith.cmpi eq, %iota3A, %eq3A_940 : vector<16x2048xi32>
      %jit3A_942 = arith.constant 0xFF800000 : f32
      %broadcast_in_dim3A_943 = vector.broadcast %jit3A_942 : f32 to vector<16x2048xf32>
      %select_n3A_944 = arith.select %eq3A_941, %broadcast_in_dim3A_943, %select_n3A_925 : vector<16x2048xi1>, vector<16x2048xf32>
      %reduce_max3A_945 = arith.constant dense<0xFF800000> : vector<16xf32>
      %reduce_max3A_946 = vector.multi_reduction <maximumf>, %select_n3A_944, %reduce_max3A_945 [1] : vector<16x2048xf32> to vector<16xf32>
      %broadcast_in_dim3A_947 = vector.shape_cast %reduce_max3A_946 : vector<16xf32> to vector<16x1xf32>
      %eq3A_948 = vector.broadcast %broadcast_in_dim3A_947 : vector<16x1xf32> to vector<16x2048xf32>
      %eq3A_949 = arith.cmpf oeq, %select_n3A_944, %eq3A_948 : vector<16x2048xf32>
      %jit3A_950 = arith.constant 2048 : i32
      %broadcast_in_dim3A_951 = vector.broadcast %jit3A_950 : i32 to vector<16x2048xi32>
      %select_n3A_952 = arith.select %eq3A_949, %iota3A, %broadcast_in_dim3A_951 : vector<16x2048xi1>, vector<16x2048xi32>
      %reduce_min3A_953 = arith.constant dense<2147483647> : vector<16xi32>
      %reduce_min3A_954 = vector.multi_reduction <minsi>, %select_n3A_952, %reduce_min3A_953 [1] : vector<16x2048xi32> to vector<16xi32>
      %broadcast_in_dim3A_955 = vector.shape_cast %reduce_min3A_954 : vector<16xi32> to vector<16x1xi32>
      %swap3A_956 = arith.constant 0 : index
      %swap3A_957 = arith.constant 42 : index
      %swap3A_958 = vector.load %arg4[%swap3A_956, %swap3A_957] : memref<16x64xi32, #tpu.memory_space<vmem>>, vector<16x1xi32>
      tpu.vector_store %arg4[%swap3A_956, %swap3A_957], %broadcast_in_dim3A_955 {strides = array<i32>} : memref<16x64xi32, #tpu.memory_space<vmem>>, vector<16x1xi32>,
      %eq3A_959 = vector.broadcast %broadcast_in_dim3A_955 : vector<16x1xi32> to vector<16x2048xi32>
      %eq3A_960 = arith.cmpi eq, %iota3A, %eq3A_959 : vector<16x2048xi32>
      %jit3A_961 = arith.constant 0xFF800000 : f32
      %broadcast_in_dim3A_962 = vector.broadcast %jit3A_961 : f32 to vector<16x2048xf32>
      %select_n3A_963 = arith.select %eq3A_960, %broadcast_in_dim3A_962, %select_n3A_944 : vector<16x2048xi1>, vector<16x2048xf32>
      %reduce_max3A_964 = arith.constant dense<0xFF800000> : vector<16xf32>
      %reduce_max3A_965 = vector.multi_reduction <maximumf>, %select_n3A_963, %reduce_max3A_964 [1] : vector<16x2048xf32> to vector<16xf32>
      %broadcast_in_dim3A_966 = vector.shape_cast %reduce_max3A_965 : vector<16xf32> to vector<16x1xf32>
      %eq3A_967 = vector.broadcast %broadcast_in_dim3A_966 : vector<16x1xf32> to vector<16x2048xf32>
      %eq3A_968 = arith.cmpf oeq, %select_n3A_963, %eq3A_967 : vector<16x2048xf32>
      %jit3A_969 = arith.constant 2048 : i32
      %broadcast_in_dim3A_970 = vector.broadcast %jit3A_969 : i32 to vector<16x2048xi32>
      %select_n3A_971 = arith.select %eq3A_968, %iota3A, %broadcast_in_dim3A_970 : vector<16x2048xi1>, vector<16x2048xi32>
      %reduce_min3A_972 = arith.constant dense<2147483647> : vector<16xi32>
      %reduce_min3A_973 = vector.multi_reduction <minsi>, %select_n3A_971, %reduce_min3A_972 [1] : vector<16x2048xi32> to vector<16xi32>
      %broadcast_in_dim3A_974 = vector.shape_cast %reduce_min3A_973 : vector<16xi32> to vector<16x1xi32>
      %swap3A_975 = arith.constant 0 : index
      %swap3A_976 = arith.constant 43 : index
      %swap3A_977 = vector.load %arg4[%swap3A_975, %swap3A_976] : memref<16x64xi32, #tpu.memory_space<vmem>>, vector<16x1xi32>
      tpu.vector_store %arg4[%swap3A_975, %swap3A_976], %broadcast_in_dim3A_974 {strides = array<i32>} : memref<16x64xi32, #tpu.memory_space<vmem>>, vector<16x1xi32>,
      %eq3A_978 = vector.broadcast %broadcast_in_dim3A_974 : vector<16x1xi32> to vector<16x2048xi32>
      %eq3A_979 = arith.cmpi eq, %iota3A, %eq3A_978 : vector<16x2048xi32>
      %jit3A_980 = arith.constant 0xFF800000 : f32
      %broadcast_in_dim3A_981 = vector.broadcast %jit3A_980 : f32 to vector<16x2048xf32>
      %select_n3A_982 = arith.select %eq3A_979, %broadcast_in_dim3A_981, %select_n3A_963 : vector<16x2048xi1>, vector<16x2048xf32>
      %reduce_max3A_983 = arith.constant dense<0xFF800000> : vector<16xf32>
      %reduce_max3A_984 = vector.multi_reduction <maximumf>, %select_n3A_982, %reduce_max3A_983 [1] : vector<16x2048xf32> to vector<16xf32>
      %broadcast_in_dim3A_985 = vector.shape_cast %reduce_max3A_984 : vector<16xf32> to vector<16x1xf32>
      %eq3A_986 = vector.broadcast %broadcast_in_dim3A_985 : vector<16x1xf32> to vector<16x2048xf32>
      %eq3A_987 = arith.cmpf oeq, %select_n3A_982, %eq3A_986 : vector<16x2048xf32>
      %jit3A_988 = arith.constant 2048 : i32
      %broadcast_in_dim3A_989 = vector.broadcast %jit3A_988 : i32 to vector<16x2048xi32>
      %select_n3A_990 = arith.select %eq3A_987, %iota3A, %broadcast_in_dim3A_989 : vector<16x2048xi1>, vector<16x2048xi32>
      %reduce_min3A_991 = arith.constant dense<2147483647> : vector<16xi32>
      %reduce_min3A_992 = vector.multi_reduction <minsi>, %select_n3A_990, %reduce_min3A_991 [1] : vector<16x2048xi32> to vector<16xi32>
      %broadcast_in_dim3A_993 = vector.shape_cast %reduce_min3A_992 : vector<16xi32> to vector<16x1xi32>
      %swap3A_994 = arith.constant 0 : index
      %swap3A_995 = arith.constant 44 : index
      %swap3A_996 = vector.load %arg4[%swap3A_994, %swap3A_995] : memref<16x64xi32, #tpu.memory_space<vmem>>, vector<16x1xi32>
      tpu.vector_store %arg4[%swap3A_994, %swap3A_995], %broadcast_in_dim3A_993 {strides = array<i32>} : memref<16x64xi32, #tpu.memory_space<vmem>>, vector<16x1xi32>,
      %eq3A_997 = vector.broadcast %broadcast_in_dim3A_993 : vector<16x1xi32> to vector<16x2048xi32>
      %eq3A_998 = arith.cmpi eq, %iota3A, %eq3A_997 : vector<16x2048xi32>
      %jit3A_999 = arith.constant 0xFF800000 : f32
      %broadcast_in_dim3A_1000 = vector.broadcast %jit3A_999 : f32 to vector<16x2048xf32>
      %select_n3A_1001 = arith.select %eq3A_998, %broadcast_in_dim3A_1000, %select_n3A_982 : vector<16x2048xi1>, vector<16x2048xf32>
      %reduce_max3A_1002 = arith.constant dense<0xFF800000> : vector<16xf32>
      %reduce_max3A_1003 = vector.multi_reduction <maximumf>, %select_n3A_1001, %reduce_max3A_1002 [1] : vector<16x2048xf32> to vector<16xf32>
      %broadcast_in_dim3A_1004 = vector.shape_cast %reduce_max3A_1003 : vector<16xf32> to vector<16x1xf32>
      %eq3A_1005 = vector.broadcast %broadcast_in_dim3A_1004 : vector<16x1xf32> to vector<16x2048xf32>
      %eq3A_1006 = arith.cmpf oeq, %select_n3A_1001, %eq3A_1005 : vector<16x2048xf32>
      %jit3A_1007 = arith.constant 2048 : i32
      %broadcast_in_dim3A_1008 = vector.broadcast %jit3A_1007 : i32 to vector<16x2048xi32>
      %select_n3A_1009 = arith.select %eq3A_1006, %iota3A, %broadcast_in_dim3A_1008 : vector<16x2048xi1>, vector<16x2048xi32>
      %reduce_min3A_1010 = arith.constant dense<2147483647> : vector<16xi32>
      %reduce_min3A_1011 = vector.multi_reduction <minsi>, %select_n3A_1009, %reduce_min3A_1010 [1] : vector<16x2048xi32> to vector<16xi32>
      %broadcast_in_dim3A_1012 = vector.shape_cast %reduce_min3A_1011 : vector<16xi32> to vector<16x1xi32>
      %swap3A_1013 = arith.constant 0 : index
      %swap3A_1014 = arith.constant 45 : index
      %swap3A_1015 = vector.load %arg4[%swap3A_1013, %swap3A_1014] : memref<16x64xi32, #tpu.memory_space<vmem>>, vector<16x1xi32>
      tpu.vector_store %arg4[%swap3A_1013, %swap3A_1014], %broadcast_in_dim3A_1012 {strides = array<i32>} : memref<16x64xi32, #tpu.memory_space<vmem>>, vector<16x1xi32>,
      %eq3A_1016 = vector.broadcast %broadcast_in_dim3A_1012 : vector<16x1xi32> to vector<16x2048xi32>
      %eq3A_1017 = arith.cmpi eq, %iota3A, %eq3A_1016 : vector<16x2048xi32>
      %jit3A_1018 = arith.constant 0xFF800000 : f32
      %broadcast_in_dim3A_1019 = vector.broadcast %jit3A_1018 : f32 to vector<16x2048xf32>
      %select_n3A_1020 = arith.select %eq3A_1017, %broadcast_in_dim3A_1019, %select_n3A_1001 : vector<16x2048xi1>, vector<16x2048xf32>
      %reduce_max3A_1021 = arith.constant dense<0xFF800000> : vector<16xf32>
      %reduce_max3A_1022 = vector.multi_reduction <maximumf>, %select_n3A_1020, %reduce_max3A_1021 [1] : vector<16x2048xf32> to vector<16xf32>
      %broadcast_in_dim3A_1023 = vector.shape_cast %reduce_max3A_1022 : vector<16xf32> to vector<16x1xf32>
      %eq3A_1024 = vector.broadcast %broadcast_in_dim3A_1023 : vector<16x1xf32> to vector<16x2048xf32>
      %eq3A_1025 = arith.cmpf oeq, %select_n3A_1020, %eq3A_1024 : vector<16x2048xf32>
      %jit3A_1026 = arith.constant 2048 : i32
      %broadcast_in_dim3A_1027 = vector.broadcast %jit3A_1026 : i32 to vector<16x2048xi32>
      %select_n3A_1028 = arith.select %eq3A_1025, %iota3A, %broadcast_in_dim3A_1027 : vector<16x2048xi1>, vector<16x2048xi32>
      %reduce_min3A_1029 = arith.constant dense<2147483647> : vector<16xi32>
      %reduce_min3A_1030 = vector.multi_reduction <minsi>, %select_n3A_1028, %reduce_min3A_1029 [1] : vector<16x2048xi32> to vector<16xi32>
      %broadcast_in_dim3A_1031 = vector.shape_cast %reduce_min3A_1030 : vector<16xi32> to vector<16x1xi32>
      %swap3A_1032 = arith.constant 0 : index
      %swap3A_1033 = arith.constant 46 : index
      %swap3A_1034 = vector.load %arg4[%swap3A_1032, %swap3A_1033] : memref<16x64xi32, #tpu.memory_space<vmem>>, vector<16x1xi32>
      tpu.vector_store %arg4[%swap3A_1032, %swap3A_1033], %broadcast_in_dim3A_1031 {strides = array<i32>} : memref<16x64xi32, #tpu.memory_space<vmem>>, vector<16x1xi32>,
      %eq3A_1035 = vector.broadcast %broadcast_in_dim3A_1031 : vector<16x1xi32> to vector<16x2048xi32>
      %eq3A_1036 = arith.cmpi eq, %iota3A, %eq3A_1035 : vector<16x2048xi32>
      %jit3A_1037 = arith.constant 0xFF800000 : f32
      %broadcast_in_dim3A_1038 = vector.broadcast %jit3A_1037 : f32 to vector<16x2048xf32>
      %select_n3A_1039 = arith.select %eq3A_1036, %broadcast_in_dim3A_1038, %select_n3A_1020 : vector<16x2048xi1>, vector<16x2048xf32>
      %reduce_max3A_1040 = arith.constant dense<0xFF800000> : vector<16xf32>
      %reduce_max3A_1041 = vector.multi_reduction <maximumf>, %select_n3A_1039, %reduce_max3A_1040 [1] : vector<16x2048xf32> to vector<16xf32>
      %broadcast_in_dim3A_1042 = vector.shape_cast %reduce_max3A_1041 : vector<16xf32> to vector<16x1xf32>
      %eq3A_1043 = vector.broadcast %broadcast_in_dim3A_1042 : vector<16x1xf32> to vector<16x2048xf32>
      %eq3A_1044 = arith.cmpf oeq, %select_n3A_1039, %eq3A_1043 : vector<16x2048xf32>
      %jit3A_1045 = arith.constant 2048 : i32
      %broadcast_in_dim3A_1046 = vector.broadcast %jit3A_1045 : i32 to vector<16x2048xi32>
      %select_n3A_1047 = arith.select %eq3A_1044, %iota3A, %broadcast_in_dim3A_1046 : vector<16x2048xi1>, vector<16x2048xi32>
      %reduce_min3A_1048 = arith.constant dense<2147483647> : vector<16xi32>
      %reduce_min3A_1049 = vector.multi_reduction <minsi>, %select_n3A_1047, %reduce_min3A_1048 [1] : vector<16x2048xi32> to vector<16xi32>
      %broadcast_in_dim3A_1050 = vector.shape_cast %reduce_min3A_1049 : vector<16xi32> to vector<16x1xi32>
      %swap3A_1051 = arith.constant 0 : index
      %swap3A_1052 = arith.constant 47 : index
      %swap3A_1053 = vector.load %arg4[%swap3A_1051, %swap3A_1052] : memref<16x64xi32, #tpu.memory_space<vmem>>, vector<16x1xi32>
      tpu.vector_store %arg4[%swap3A_1051, %swap3A_1052], %broadcast_in_dim3A_1050 {strides = array<i32>} : memref<16x64xi32, #tpu.memory_space<vmem>>, vector<16x1xi32>,
      %eq3A_1054 = vector.broadcast %broadcast_in_dim3A_1050 : vector<16x1xi32> to vector<16x2048xi32>
      %eq3A_1055 = arith.cmpi eq, %iota3A, %eq3A_1054 : vector<16x2048xi32>
      %jit3A_1056 = arith.constant 0xFF800000 : f32
      %broadcast_in_dim3A_1057 = vector.broadcast %jit3A_1056 : f32 to vector<16x2048xf32>
      %select_n3A_1058 = arith.select %eq3A_1055, %broadcast_in_dim3A_1057, %select_n3A_1039 : vector<16x2048xi1>, vector<16x2048xf32>
      %reduce_max3A_1059 = arith.constant dense<0xFF800000> : vector<16xf32>
      %reduce_max3A_1060 = vector.multi_reduction <maximumf>, %select_n3A_1058, %reduce_max3A_1059 [1] : vector<16x2048xf32> to vector<16xf32>
      %broadcast_in_dim3A_1061 = vector.shape_cast %reduce_max3A_1060 : vector<16xf32> to vector<16x1xf32>
      %eq3A_1062 = vector.broadcast %broadcast_in_dim3A_1061 : vector<16x1xf32> to vector<16x2048xf32>
      %eq3A_1063 = arith.cmpf oeq, %select_n3A_1058, %eq3A_1062 : vector<16x2048xf32>
      %jit3A_1064 = arith.constant 2048 : i32
      %broadcast_in_dim3A_1065 = vector.broadcast %jit3A_1064 : i32 to vector<16x2048xi32>
      %select_n3A_1066 = arith.select %eq3A_1063, %iota3A, %broadcast_in_dim3A_1065 : vector<16x2048xi1>, vector<16x2048xi32>
      %reduce_min3A_1067 = arith.constant dense<2147483647> : vector<16xi32>
      %reduce_min3A_1068 = vector.multi_reduction <minsi>, %select_n3A_1066, %reduce_min3A_1067 [1] : vector<16x2048xi32> to vector<16xi32>
      %broadcast_in_dim3A_1069 = vector.shape_cast %reduce_min3A_1068 : vector<16xi32> to vector<16x1xi32>
      %swap3A_1070 = arith.constant 0 : index
      %swap3A_1071 = arith.constant 48 : index
      %swap3A_1072 = vector.load %arg4[%swap3A_1070, %swap3A_1071] : memref<16x64xi32, #tpu.memory_space<vmem>>, vector<16x1xi32>
      tpu.vector_store %arg4[%swap3A_1070, %swap3A_1071], %broadcast_in_dim3A_1069 {strides = array<i32>} : memref<16x64xi32, #tpu.memory_space<vmem>>, vector<16x1xi32>,
      %eq3A_1073 = vector.broadcast %broadcast_in_dim3A_1069 : vector<16x1xi32> to vector<16x2048xi32>
      %eq3A_1074 = arith.cmpi eq, %iota3A, %eq3A_1073 : vector<16x2048xi32>
      %jit3A_1075 = arith.constant 0xFF800000 : f32
      %broadcast_in_dim3A_1076 = vector.broadcast %jit3A_1075 : f32 to vector<16x2048xf32>
      %select_n3A_1077 = arith.select %eq3A_1074, %broadcast_in_dim3A_1076, %select_n3A_1058 : vector<16x2048xi1>, vector<16x2048xf32>
      %reduce_max3A_1078 = arith.constant dense<0xFF800000> : vector<16xf32>
      %reduce_max3A_1079 = vector.multi_reduction <maximumf>, %select_n3A_1077, %reduce_max3A_1078 [1] : vector<16x2048xf32> to vector<16xf32>
      %broadcast_in_dim3A_1080 = vector.shape_cast %reduce_max3A_1079 : vector<16xf32> to vector<16x1xf32>
      %eq3A_1081 = vector.broadcast %broadcast_in_dim3A_1080 : vector<16x1xf32> to vector<16x2048xf32>
      %eq3A_1082 = arith.cmpf oeq, %select_n3A_1077, %eq3A_1081 : vector<16x2048xf32>
      %jit3A_1083 = arith.constant 2048 : i32
      %broadcast_in_dim3A_1084 = vector.broadcast %jit3A_1083 : i32 to vector<16x2048xi32>
      %select_n3A_1085 = arith.select %eq3A_1082, %iota3A, %broadcast_in_dim3A_1084 : vector<16x2048xi1>, vector<16x2048xi32>
      %reduce_min3A_1086 = arith.constant dense<2147483647> : vector<16xi32>
      %reduce_min3A_1087 = vector.multi_reduction <minsi>, %select_n3A_1085, %reduce_min3A_1086 [1] : vector<16x2048xi32> to vector<16xi32>
      %broadcast_in_dim3A_1088 = vector.shape_cast %reduce_min3A_1087 : vector<16xi32> to vector<16x1xi32>
      %swap3A_1089 = arith.constant 0 : index
      %swap3A_1090 = arith.constant 49 : index
      %swap3A_1091 = vector.load %arg4[%swap3A_1089, %swap3A_1090] : memref<16x64xi32, #tpu.memory_space<vmem>>, vector<16x1xi32>
      tpu.vector_store %arg4[%swap3A_1089, %swap3A_1090], %broadcast_in_dim3A_1088 {strides = array<i32>} : memref<16x64xi32, #tpu.memory_space<vmem>>, vector<16x1xi32>,
      %eq3A_1092 = vector.broadcast %broadcast_in_dim3A_1088 : vector<16x1xi32> to vector<16x2048xi32>
      %eq3A_1093 = arith.cmpi eq, %iota3A, %eq3A_1092 : vector<16x2048xi32>
      %jit3A_1094 = arith.constant 0xFF800000 : f32
      %broadcast_in_dim3A_1095 = vector.broadcast %jit3A_1094 : f32 to vector<16x2048xf32>
      %select_n3A_1096 = arith.select %eq3A_1093, %broadcast_in_dim3A_1095, %select_n3A_1077 : vector<16x2048xi1>, vector<16x2048xf32>
      %reduce_max3A_1097 = arith.constant dense<0xFF800000> : vector<16xf32>
      %reduce_max3A_1098 = vector.multi_reduction <maximumf>, %select_n3A_1096, %reduce_max3A_1097 [1] : vector<16x2048xf32> to vector<16xf32>
      %broadcast_in_dim3A_1099 = vector.shape_cast %reduce_max3A_1098 : vector<16xf32> to vector<16x1xf32>
      %eq3A_1100 = vector.broadcast %broadcast_in_dim3A_1099 : vector<16x1xf32> to vector<16x2048xf32>
      %eq3A_1101 = arith.cmpf oeq, %select_n3A_1096, %eq3A_1100 : vector<16x2048xf32>
      %jit3A_1102 = arith.constant 2048 : i32
      %broadcast_in_dim3A_1103 = vector.broadcast %jit3A_1102 : i32 to vector<16x2048xi32>
      %select_n3A_1104 = arith.select %eq3A_1101, %iota3A, %broadcast_in_dim3A_1103 : vector<16x2048xi1>, vector<16x2048xi32>
      %reduce_min3A_1105 = arith.constant dense<2147483647> : vector<16xi32>
      %reduce_min3A_1106 = vector.multi_reduction <minsi>, %select_n3A_1104, %reduce_min3A_1105 [1] : vector<16x2048xi32> to vector<16xi32>
      %broadcast_in_dim3A_1107 = vector.shape_cast %reduce_min3A_1106 : vector<16xi32> to vector<16x1xi32>
      %swap3A_1108 = arith.constant 0 : index
      %swap3A_1109 = arith.constant 50 : index
      %swap3A_1110 = vector.load %arg4[%swap3A_1108, %swap3A_1109] : memref<16x64xi32, #tpu.memory_space<vmem>>, vector<16x1xi32>
      tpu.vector_store %arg4[%swap3A_1108, %swap3A_1109], %broadcast_in_dim3A_1107 {strides = array<i32>} : memref<16x64xi32, #tpu.memory_space<vmem>>, vector<16x1xi32>,
      %eq3A_1111 = vector.broadcast %broadcast_in_dim3A_1107 : vector<16x1xi32> to vector<16x2048xi32>
      %eq3A_1112 = arith.cmpi eq, %iota3A, %eq3A_1111 : vector<16x2048xi32>
      %jit3A_1113 = arith.constant 0xFF800000 : f32
      %broadcast_in_dim3A_1114 = vector.broadcast %jit3A_1113 : f32 to vector<16x2048xf32>
      %select_n3A_1115 = arith.select %eq3A_1112, %broadcast_in_dim3A_1114, %select_n3A_1096 : vector<16x2048xi1>, vector<16x2048xf32>
      %reduce_max3A_1116 = arith.constant dense<0xFF800000> : vector<16xf32>
      %reduce_max3A_1117 = vector.multi_reduction <maximumf>, %select_n3A_1115, %reduce_max3A_1116 [1] : vector<16x2048xf32> to vector<16xf32>
      %broadcast_in_dim3A_1118 = vector.shape_cast %reduce_max3A_1117 : vector<16xf32> to vector<16x1xf32>
      %eq3A_1119 = vector.broadcast %broadcast_in_dim3A_1118 : vector<16x1xf32> to vector<16x2048xf32>
      %eq3A_1120 = arith.cmpf oeq, %select_n3A_1115, %eq3A_1119 : vector<16x2048xf32>
      %jit3A_1121 = arith.constant 2048 : i32
      %broadcast_in_dim3A_1122 = vector.broadcast %jit3A_1121 : i32 to vector<16x2048xi32>
      %select_n3A_1123 = arith.select %eq3A_1120, %iota3A, %broadcast_in_dim3A_1122 : vector<16x2048xi1>, vector<16x2048xi32>
      %reduce_min3A_1124 = arith.constant dense<2147483647> : vector<16xi32>
      %reduce_min3A_1125 = vector.multi_reduction <minsi>, %select_n3A_1123, %reduce_min3A_1124 [1] : vector<16x2048xi32> to vector<16xi32>
      %broadcast_in_dim3A_1126 = vector.shape_cast %reduce_min3A_1125 : vector<16xi32> to vector<16x1xi32>
      %swap3A_1127 = arith.constant 0 : index
      %swap3A_1128 = arith.constant 51 : index
      %swap3A_1129 = vector.load %arg4[%swap3A_1127, %swap3A_1128] : memref<16x64xi32, #tpu.memory_space<vmem>>, vector<16x1xi32>
      tpu.vector_store %arg4[%swap3A_1127, %swap3A_1128], %broadcast_in_dim3A_1126 {strides = array<i32>} : memref<16x64xi32, #tpu.memory_space<vmem>>, vector<16x1xi32>,
      %eq3A_1130 = vector.broadcast %broadcast_in_dim3A_1126 : vector<16x1xi32> to vector<16x2048xi32>
      %eq3A_1131 = arith.cmpi eq, %iota3A, %eq3A_1130 : vector<16x2048xi32>
      %jit3A_1132 = arith.constant 0xFF800000 : f32
      %broadcast_in_dim3A_1133 = vector.broadcast %jit3A_1132 : f32 to vector<16x2048xf32>
      %select_n3A_1134 = arith.select %eq3A_1131, %broadcast_in_dim3A_1133, %select_n3A_1115 : vector<16x2048xi1>, vector<16x2048xf32>
      %reduce_max3A_1135 = arith.constant dense<0xFF800000> : vector<16xf32>
      %reduce_max3A_1136 = vector.multi_reduction <maximumf>, %select_n3A_1134, %reduce_max3A_1135 [1] : vector<16x2048xf32> to vector<16xf32>
      %broadcast_in_dim3A_1137 = vector.shape_cast %reduce_max3A_1136 : vector<16xf32> to vector<16x1xf32>
      %eq3A_1138 = vector.broadcast %broadcast_in_dim3A_1137 : vector<16x1xf32> to vector<16x2048xf32>
      %eq3A_1139 = arith.cmpf oeq, %select_n3A_1134, %eq3A_1138 : vector<16x2048xf32>
      %jit3A_1140 = arith.constant 2048 : i32
      %broadcast_in_dim3A_1141 = vector.broadcast %jit3A_1140 : i32 to vector<16x2048xi32>
      %select_n3A_1142 = arith.select %eq3A_1139, %iota3A, %broadcast_in_dim3A_1141 : vector<16x2048xi1>, vector<16x2048xi32>
      %reduce_min3A_1143 = arith.constant dense<2147483647> : vector<16xi32>
      %reduce_min3A_1144 = vector.multi_reduction <minsi>, %select_n3A_1142, %reduce_min3A_1143 [1] : vector<16x2048xi32> to vector<16xi32>
      %broadcast_in_dim3A_1145 = vector.shape_cast %reduce_min3A_1144 : vector<16xi32> to vector<16x1xi32>
      %swap3A_1146 = arith.constant 0 : index
      %swap3A_1147 = arith.constant 52 : index
      %swap3A_1148 = vector.load %arg4[%swap3A_1146, %swap3A_1147] : memref<16x64xi32, #tpu.memory_space<vmem>>, vector<16x1xi32>
      tpu.vector_store %arg4[%swap3A_1146, %swap3A_1147], %broadcast_in_dim3A_1145 {strides = array<i32>} : memref<16x64xi32, #tpu.memory_space<vmem>>, vector<16x1xi32>,
      %eq3A_1149 = vector.broadcast %broadcast_in_dim3A_1145 : vector<16x1xi32> to vector<16x2048xi32>
      %eq3A_1150 = arith.cmpi eq, %iota3A, %eq3A_1149 : vector<16x2048xi32>
      %jit3A_1151 = arith.constant 0xFF800000 : f32
      %broadcast_in_dim3A_1152 = vector.broadcast %jit3A_1151 : f32 to vector<16x2048xf32>
      %select_n3A_1153 = arith.select %eq3A_1150, %broadcast_in_dim3A_1152, %select_n3A_1134 : vector<16x2048xi1>, vector<16x2048xf32>
      %reduce_max3A_1154 = arith.constant dense<0xFF800000> : vector<16xf32>
      %reduce_max3A_1155 = vector.multi_reduction <maximumf>, %select_n3A_1153, %reduce_max3A_1154 [1] : vector<16x2048xf32> to vector<16xf32>
      %broadcast_in_dim3A_1156 = vector.shape_cast %reduce_max3A_1155 : vector<16xf32> to vector<16x1xf32>
      %eq3A_1157 = vector.broadcast %broadcast_in_dim3A_1156 : vector<16x1xf32> to vector<16x2048xf32>
      %eq3A_1158 = arith.cmpf oeq, %select_n3A_1153, %eq3A_1157 : vector<16x2048xf32>
      %jit3A_1159 = arith.constant 2048 : i32
      %broadcast_in_dim3A_1160 = vector.broadcast %jit3A_1159 : i32 to vector<16x2048xi32>
      %select_n3A_1161 = arith.select %eq3A_1158, %iota3A, %broadcast_in_dim3A_1160 : vector<16x2048xi1>, vector<16x2048xi32>
      %reduce_min3A_1162 = arith.constant dense<2147483647> : vector<16xi32>
      %reduce_min3A_1163 = vector.multi_reduction <minsi>, %select_n3A_1161, %reduce_min3A_1162 [1] : vector<16x2048xi32> to vector<16xi32>
      %broadcast_in_dim3A_1164 = vector.shape_cast %reduce_min3A_1163 : vector<16xi32> to vector<16x1xi32>
      %swap3A_1165 = arith.constant 0 : index
      %swap3A_1166 = arith.constant 53 : index
      %swap3A_1167 = vector.load %arg4[%swap3A_1165, %swap3A_1166] : memref<16x64xi32, #tpu.memory_space<vmem>>, vector<16x1xi32>
      tpu.vector_store %arg4[%swap3A_1165, %swap3A_1166], %broadcast_in_dim3A_1164 {strides = array<i32>} : memref<16x64xi32, #tpu.memory_space<vmem>>, vector<16x1xi32>,
      %eq3A_1168 = vector.broadcast %broadcast_in_dim3A_1164 : vector<16x1xi32> to vector<16x2048xi32>
      %eq3A_1169 = arith.cmpi eq, %iota3A, %eq3A_1168 : vector<16x2048xi32>
      %jit3A_1170 = arith.constant 0xFF800000 : f32
      %broadcast_in_dim3A_1171 = vector.broadcast %jit3A_1170 : f32 to vector<16x2048xf32>
      %select_n3A_1172 = arith.select %eq3A_1169, %broadcast_in_dim3A_1171, %select_n3A_1153 : vector<16x2048xi1>, vector<16x2048xf32>
      %reduce_max3A_1173 = arith.constant dense<0xFF800000> : vector<16xf32>
      %reduce_max3A_1174 = vector.multi_reduction <maximumf>, %select_n3A_1172, %reduce_max3A_1173 [1] : vector<16x2048xf32> to vector<16xf32>
      %broadcast_in_dim3A_1175 = vector.shape_cast %reduce_max3A_1174 : vector<16xf32> to vector<16x1xf32>
      %eq3A_1176 = vector.broadcast %broadcast_in_dim3A_1175 : vector<16x1xf32> to vector<16x2048xf32>
      %eq3A_1177 = arith.cmpf oeq, %select_n3A_1172, %eq3A_1176 : vector<16x2048xf32>
      %jit3A_1178 = arith.constant 2048 : i32
      %broadcast_in_dim3A_1179 = vector.broadcast %jit3A_1178 : i32 to vector<16x2048xi32>
      %select_n3A_1180 = arith.select %eq3A_1177, %iota3A, %broadcast_in_dim3A_1179 : vector<16x2048xi1>, vector<16x2048xi32>
      %reduce_min3A_1181 = arith.constant dense<2147483647> : vector<16xi32>
      %reduce_min3A_1182 = vector.multi_reduction <minsi>, %select_n3A_1180, %reduce_min3A_1181 [1] : vector<16x2048xi32> to vector<16xi32>
      %broadcast_in_dim3A_1183 = vector.shape_cast %reduce_min3A_1182 : vector<16xi32> to vector<16x1xi32>
      %swap3A_1184 = arith.constant 0 : index
      %swap3A_1185 = arith.constant 54 : index
      %swap3A_1186 = vector.load %arg4[%swap3A_1184, %swap3A_1185] : memref<16x64xi32, #tpu.memory_space<vmem>>, vector<16x1xi32>
      tpu.vector_store %arg4[%swap3A_1184, %swap3A_1185], %broadcast_in_dim3A_1183 {strides = array<i32>} : memref<16x64xi32, #tpu.memory_space<vmem>>, vector<16x1xi32>,
      %eq3A_1187 = vector.broadcast %broadcast_in_dim3A_1183 : vector<16x1xi32> to vector<16x2048xi32>
      %eq3A_1188 = arith.cmpi eq, %iota3A, %eq3A_1187 : vector<16x2048xi32>
      %jit3A_1189 = arith.constant 0xFF800000 : f32
      %broadcast_in_dim3A_1190 = vector.broadcast %jit3A_1189 : f32 to vector<16x2048xf32>
      %select_n3A_1191 = arith.select %eq3A_1188, %broadcast_in_dim3A_1190, %select_n3A_1172 : vector<16x2048xi1>, vector<16x2048xf32>
      %reduce_max3A_1192 = arith.constant dense<0xFF800000> : vector<16xf32>
      %reduce_max3A_1193 = vector.multi_reduction <maximumf>, %select_n3A_1191, %reduce_max3A_1192 [1] : vector<16x2048xf32> to vector<16xf32>
      %broadcast_in_dim3A_1194 = vector.shape_cast %reduce_max3A_1193 : vector<16xf32> to vector<16x1xf32>
      %eq3A_1195 = vector.broadcast %broadcast_in_dim3A_1194 : vector<16x1xf32> to vector<16x2048xf32>
      %eq3A_1196 = arith.cmpf oeq, %select_n3A_1191, %eq3A_1195 : vector<16x2048xf32>
      %jit3A_1197 = arith.constant 2048 : i32
      %broadcast_in_dim3A_1198 = vector.broadcast %jit3A_1197 : i32 to vector<16x2048xi32>
      %select_n3A_1199 = arith.select %eq3A_1196, %iota3A, %broadcast_in_dim3A_1198 : vector<16x2048xi1>, vector<16x2048xi32>
      %reduce_min3A_1200 = arith.constant dense<2147483647> : vector<16xi32>
      %reduce_min3A_1201 = vector.multi_reduction <minsi>, %select_n3A_1199, %reduce_min3A_1200 [1] : vector<16x2048xi32> to vector<16xi32>
      %broadcast_in_dim3A_1202 = vector.shape_cast %reduce_min3A_1201 : vector<16xi32> to vector<16x1xi32>
      %swap3A_1203 = arith.constant 0 : index
      %swap3A_1204 = arith.constant 55 : index
      %swap3A_1205 = vector.load %arg4[%swap3A_1203, %swap3A_1204] : memref<16x64xi32, #tpu.memory_space<vmem>>, vector<16x1xi32>
      tpu.vector_store %arg4[%swap3A_1203, %swap3A_1204], %broadcast_in_dim3A_1202 {strides = array<i32>} : memref<16x64xi32, #tpu.memory_space<vmem>>, vector<16x1xi32>,
      %eq3A_1206 = vector.broadcast %broadcast_in_dim3A_1202 : vector<16x1xi32> to vector<16x2048xi32>
      %eq3A_1207 = arith.cmpi eq, %iota3A, %eq3A_1206 : vector<16x2048xi32>
      %jit3A_1208 = arith.constant 0xFF800000 : f32
      %broadcast_in_dim3A_1209 = vector.broadcast %jit3A_1208 : f32 to vector<16x2048xf32>
      %select_n3A_1210 = arith.select %eq3A_1207, %broadcast_in_dim3A_1209, %select_n3A_1191 : vector<16x2048xi1>, vector<16x2048xf32>
      %reduce_max3A_1211 = arith.constant dense<0xFF800000> : vector<16xf32>
      %reduce_max3A_1212 = vector.multi_reduction <maximumf>, %select_n3A_1210, %reduce_max3A_1211 [1] : vector<16x2048xf32> to vector<16xf32>
      %broadcast_in_dim3A_1213 = vector.shape_cast %reduce_max3A_1212 : vector<16xf32> to vector<16x1xf32>
      %eq3A_1214 = vector.broadcast %broadcast_in_dim3A_1213 : vector<16x1xf32> to vector<16x2048xf32>
      %eq3A_1215 = arith.cmpf oeq, %select_n3A_1210, %eq3A_1214 : vector<16x2048xf32>
      %jit3A_1216 = arith.constant 2048 : i32
      %broadcast_in_dim3A_1217 = vector.broadcast %jit3A_1216 : i32 to vector<16x2048xi32>
      %select_n3A_1218 = arith.select %eq3A_1215, %iota3A, %broadcast_in_dim3A_1217 : vector<16x2048xi1>, vector<16x2048xi32>
      %reduce_min3A_1219 = arith.constant dense<2147483647> : vector<16xi32>
      %reduce_min3A_1220 = vector.multi_reduction <minsi>, %select_n3A_1218, %reduce_min3A_1219 [1] : vector<16x2048xi32> to vector<16xi32>
      %broadcast_in_dim3A_1221 = vector.shape_cast %reduce_min3A_1220 : vector<16xi32> to vector<16x1xi32>
      %swap3A_1222 = arith.constant 0 : index
      %swap3A_1223 = arith.constant 56 : index
      %swap3A_1224 = vector.load %arg4[%swap3A_1222, %swap3A_1223] : memref<16x64xi32, #tpu.memory_space<vmem>>, vector<16x1xi32>
      tpu.vector_store %arg4[%swap3A_1222, %swap3A_1223], %broadcast_in_dim3A_1221 {strides = array<i32>} : memref<16x64xi32, #tpu.memory_space<vmem>>, vector<16x1xi32>,
      %eq3A_1225 = vector.broadcast %broadcast_in_dim3A_1221 : vector<16x1xi32> to vector<16x2048xi32>
      %eq3A_1226 = arith.cmpi eq, %iota3A, %eq3A_1225 : vector<16x2048xi32>
      %jit3A_1227 = arith.constant 0xFF800000 : f32
      %broadcast_in_dim3A_1228 = vector.broadcast %jit3A_1227 : f32 to vector<16x2048xf32>
      %select_n3A_1229 = arith.select %eq3A_1226, %broadcast_in_dim3A_1228, %select_n3A_1210 : vector<16x2048xi1>, vector<16x2048xf32>
      %reduce_max3A_1230 = arith.constant dense<0xFF800000> : vector<16xf32>
      %reduce_max3A_1231 = vector.multi_reduction <maximumf>, %select_n3A_1229, %reduce_max3A_1230 [1] : vector<16x2048xf32> to vector<16xf32>
      %broadcast_in_dim3A_1232 = vector.shape_cast %reduce_max3A_1231 : vector<16xf32> to vector<16x1xf32>
      %eq3A_1233 = vector.broadcast %broadcast_in_dim3A_1232 : vector<16x1xf32> to vector<16x2048xf32>
      %eq3A_1234 = arith.cmpf oeq, %select_n3A_1229, %eq3A_1233 : vector<16x2048xf32>
      %jit3A_1235 = arith.constant 2048 : i32
      %broadcast_in_dim3A_1236 = vector.broadcast %jit3A_1235 : i32 to vector<16x2048xi32>
      %select_n3A_1237 = arith.select %eq3A_1234, %iota3A, %broadcast_in_dim3A_1236 : vector<16x2048xi1>, vector<16x2048xi32>
      %reduce_min3A_1238 = arith.constant dense<2147483647> : vector<16xi32>
      %reduce_min3A_1239 = vector.multi_reduction <minsi>, %select_n3A_1237, %reduce_min3A_1238 [1] : vector<16x2048xi32> to vector<16xi32>
      %broadcast_in_dim3A_1240 = vector.shape_cast %reduce_min3A_1239 : vector<16xi32> to vector<16x1xi32>
      %swap3A_1241 = arith.constant 0 : index
      %swap3A_1242 = arith.constant 57 : index
      %swap3A_1243 = vector.load %arg4[%swap3A_1241, %swap3A_1242] : memref<16x64xi32, #tpu.memory_space<vmem>>, vector<16x1xi32>
      tpu.vector_store %arg4[%swap3A_1241, %swap3A_1242], %broadcast_in_dim3A_1240 {strides = array<i32>} : memref<16x64xi32, #tpu.memory_space<vmem>>, vector<16x1xi32>,
      %eq3A_1244 = vector.broadcast %broadcast_in_dim3A_1240 : vector<16x1xi32> to vector<16x2048xi32>
      %eq3A_1245 = arith.cmpi eq, %iota3A, %eq3A_1244 : vector<16x2048xi32>
      %jit3A_1246 = arith.constant 0xFF800000 : f32
      %broadcast_in_dim3A_1247 = vector.broadcast %jit3A_1246 : f32 to vector<16x2048xf32>
      %select_n3A_1248 = arith.select %eq3A_1245, %broadcast_in_dim3A_1247, %select_n3A_1229 : vector<16x2048xi1>, vector<16x2048xf32>
      %reduce_max3A_1249 = arith.constant dense<0xFF800000> : vector<16xf32>
      %reduce_max3A_1250 = vector.multi_reduction <maximumf>, %select_n3A_1248, %reduce_max3A_1249 [1] : vector<16x2048xf32> to vector<16xf32>
      %broadcast_in_dim3A_1251 = vector.shape_cast %reduce_max3A_1250 : vector<16xf32> to vector<16x1xf32>
      %eq3A_1252 = vector.broadcast %broadcast_in_dim3A_1251 : vector<16x1xf32> to vector<16x2048xf32>
      %eq3A_1253 = arith.cmpf oeq, %select_n3A_1248, %eq3A_1252 : vector<16x2048xf32>
      %jit3A_1254 = arith.constant 2048 : i32
      %broadcast_in_dim3A_1255 = vector.broadcast %jit3A_1254 : i32 to vector<16x2048xi32>
      %select_n3A_1256 = arith.select %eq3A_1253, %iota3A, %broadcast_in_dim3A_1255 : vector<16x2048xi1>, vector<16x2048xi32>
      %reduce_min3A_1257 = arith.constant dense<2147483647> : vector<16xi32>
      %reduce_min3A_1258 = vector.multi_reduction <minsi>, %select_n3A_1256, %reduce_min3A_1257 [1] : vector<16x2048xi32> to vector<16xi32>
      %broadcast_in_dim3A_1259 = vector.shape_cast %reduce_min3A_1258 : vector<16xi32> to vector<16x1xi32>
      %swap3A_1260 = arith.constant 0 : index
      %swap3A_1261 = arith.constant 58 : index
      %swap3A_1262 = vector.load %arg4[%swap3A_1260, %swap3A_1261] : memref<16x64xi32, #tpu.memory_space<vmem>>, vector<16x1xi32>
      tpu.vector_store %arg4[%swap3A_1260, %swap3A_1261], %broadcast_in_dim3A_1259 {strides = array<i32>} : memref<16x64xi32, #tpu.memory_space<vmem>>, vector<16x1xi32>,
      %eq3A_1263 = vector.broadcast %broadcast_in_dim3A_1259 : vector<16x1xi32> to vector<16x2048xi32>
      %eq3A_1264 = arith.cmpi eq, %iota3A, %eq3A_1263 : vector<16x2048xi32>
      %jit3A_1265 = arith.constant 0xFF800000 : f32
      %broadcast_in_dim3A_1266 = vector.broadcast %jit3A_1265 : f32 to vector<16x2048xf32>
      %select_n3A_1267 = arith.select %eq3A_1264, %broadcast_in_dim3A_1266, %select_n3A_1248 : vector<16x2048xi1>, vector<16x2048xf32>
      %reduce_max3A_1268 = arith.constant dense<0xFF800000> : vector<16xf32>
      %reduce_max3A_1269 = vector.multi_reduction <maximumf>, %select_n3A_1267, %reduce_max3A_1268 [1] : vector<16x2048xf32> to vector<16xf32>
      %broadcast_in_dim3A_1270 = vector.shape_cast %reduce_max3A_1269 : vector<16xf32> to vector<16x1xf32>
      %eq3A_1271 = vector.broadcast %broadcast_in_dim3A_1270 : vector<16x1xf32> to vector<16x2048xf32>
      %eq3A_1272 = arith.cmpf oeq, %select_n3A_1267, %eq3A_1271 : vector<16x2048xf32>
      %jit3A_1273 = arith.constant 2048 : i32
      %broadcast_in_dim3A_1274 = vector.broadcast %jit3A_1273 : i32 to vector<16x2048xi32>
      %select_n3A_1275 = arith.select %eq3A_1272, %iota3A, %broadcast_in_dim3A_1274 : vector<16x2048xi1>, vector<16x2048xi32>
      %reduce_min3A_1276 = arith.constant dense<2147483647> : vector<16xi32>
      %reduce_min3A_1277 = vector.multi_reduction <minsi>, %select_n3A_1275, %reduce_min3A_1276 [1] : vector<16x2048xi32> to vector<16xi32>
      %broadcast_in_dim3A_1278 = vector.shape_cast %reduce_min3A_1277 : vector<16xi32> to vector<16x1xi32>
      %swap3A_1279 = arith.constant 0 : index
      %swap3A_1280 = arith.constant 59 : index
      %swap3A_1281 = vector.load %arg4[%swap3A_1279, %swap3A_1280] : memref<16x64xi32, #tpu.memory_space<vmem>>, vector<16x1xi32>
      tpu.vector_store %arg4[%swap3A_1279, %swap3A_1280], %broadcast_in_dim3A_1278 {strides = array<i32>} : memref<16x64xi32, #tpu.memory_space<vmem>>, vector<16x1xi32>,
      %eq3A_1282 = vector.broadcast %broadcast_in_dim3A_1278 : vector<16x1xi32> to vector<16x2048xi32>
      %eq3A_1283 = arith.cmpi eq, %iota3A, %eq3A_1282 : vector<16x2048xi32>
      %jit3A_1284 = arith.constant 0xFF800000 : f32
      %broadcast_in_dim3A_1285 = vector.broadcast %jit3A_1284 : f32 to vector<16x2048xf32>
      %select_n3A_1286 = arith.select %eq3A_1283, %broadcast_in_dim3A_1285, %select_n3A_1267 : vector<16x2048xi1>, vector<16x2048xf32>
      %reduce_max3A_1287 = arith.constant dense<0xFF800000> : vector<16xf32>
      %reduce_max3A_1288 = vector.multi_reduction <maximumf>, %select_n3A_1286, %reduce_max3A_1287 [1] : vector<16x2048xf32> to vector<16xf32>
      %broadcast_in_dim3A_1289 = vector.shape_cast %reduce_max3A_1288 : vector<16xf32> to vector<16x1xf32>
      %eq3A_1290 = vector.broadcast %broadcast_in_dim3A_1289 : vector<16x1xf32> to vector<16x2048xf32>
      %eq3A_1291 = arith.cmpf oeq, %select_n3A_1286, %eq3A_1290 : vector<16x2048xf32>
      %jit3A_1292 = arith.constant 2048 : i32
      %broadcast_in_dim3A_1293 = vector.broadcast %jit3A_1292 : i32 to vector<16x2048xi32>
      %select_n3A_1294 = arith.select %eq3A_1291, %iota3A, %broadcast_in_dim3A_1293 : vector<16x2048xi1>, vector<16x2048xi32>
      %reduce_min3A_1295 = arith.constant dense<2147483647> : vector<16xi32>
      %reduce_min3A_1296 = vector.multi_reduction <minsi>, %select_n3A_1294, %reduce_min3A_1295 [1] : vector<16x2048xi32> to vector<16xi32>
      %broadcast_in_dim3A_1297 = vector.shape_cast %reduce_min3A_1296 : vector<16xi32> to vector<16x1xi32>
      %swap3A_1298 = arith.constant 0 : index
      %swap3A_1299 = arith.constant 60 : index
      %swap3A_1300 = vector.load %arg4[%swap3A_1298, %swap3A_1299] : memref<16x64xi32, #tpu.memory_space<vmem>>, vector<16x1xi32>
      tpu.vector_store %arg4[%swap3A_1298, %swap3A_1299], %broadcast_in_dim3A_1297 {strides = array<i32>} : memref<16x64xi32, #tpu.memory_space<vmem>>, vector<16x1xi32>,
      %eq3A_1301 = vector.broadcast %broadcast_in_dim3A_1297 : vector<16x1xi32> to vector<16x2048xi32>
      %eq3A_1302 = arith.cmpi eq, %iota3A, %eq3A_1301 : vector<16x2048xi32>
      %jit3A_1303 = arith.constant 0xFF800000 : f32
      %broadcast_in_dim3A_1304 = vector.broadcast %jit3A_1303 : f32 to vector<16x2048xf32>
      %select_n3A_1305 = arith.select %eq3A_1302, %broadcast_in_dim3A_1304, %select_n3A_1286 : vector<16x2048xi1>, vector<16x2048xf32>
      %reduce_max3A_1306 = arith.constant dense<0xFF800000> : vector<16xf32>
      %reduce_max3A_1307 = vector.multi_reduction <maximumf>, %select_n3A_1305, %reduce_max3A_1306 [1] : vector<16x2048xf32> to vector<16xf32>
      %broadcast_in_dim3A_1308 = vector.shape_cast %reduce_max3A_1307 : vector<16xf32> to vector<16x1xf32>
      %eq3A_1309 = vector.broadcast %broadcast_in_dim3A_1308 : vector<16x1xf32> to vector<16x2048xf32>
      %eq3A_1310 = arith.cmpf oeq, %select_n3A_1305, %eq3A_1309 : vector<16x2048xf32>
      %jit3A_1311 = arith.constant 2048 : i32
      %broadcast_in_dim3A_1312 = vector.broadcast %jit3A_1311 : i32 to vector<16x2048xi32>
      %select_n3A_1313 = arith.select %eq3A_1310, %iota3A, %broadcast_in_dim3A_1312 : vector<16x2048xi1>, vector<16x2048xi32>
      %reduce_min3A_1314 = arith.constant dense<2147483647> : vector<16xi32>
      %reduce_min3A_1315 = vector.multi_reduction <minsi>, %select_n3A_1313, %reduce_min3A_1314 [1] : vector<16x2048xi32> to vector<16xi32>
      %broadcast_in_dim3A_1316 = vector.shape_cast %reduce_min3A_1315 : vector<16xi32> to vector<16x1xi32>
      %swap3A_1317 = arith.constant 0 : index
      %swap3A_1318 = arith.constant 61 : index
      %swap3A_1319 = vector.load %arg4[%swap3A_1317, %swap3A_1318] : memref<16x64xi32, #tpu.memory_space<vmem>>, vector<16x1xi32>
      tpu.vector_store %arg4[%swap3A_1317, %swap3A_1318], %broadcast_in_dim3A_1316 {strides = array<i32>} : memref<16x64xi32, #tpu.memory_space<vmem>>, vector<16x1xi32>,
      %eq3A_1320 = vector.broadcast %broadcast_in_dim3A_1316 : vector<16x1xi32> to vector<16x2048xi32>
      %eq3A_1321 = arith.cmpi eq, %iota3A, %eq3A_1320 : vector<16x2048xi32>
      %jit3A_1322 = arith.constant 0xFF800000 : f32
      %broadcast_in_dim3A_1323 = vector.broadcast %jit3A_1322 : f32 to vector<16x2048xf32>
      %select_n3A_1324 = arith.select %eq3A_1321, %broadcast_in_dim3A_1323, %select_n3A_1305 : vector<16x2048xi1>, vector<16x2048xf32>
      %reduce_max3A_1325 = arith.constant dense<0xFF800000> : vector<16xf32>
      %reduce_max3A_1326 = vector.multi_reduction <maximumf>, %select_n3A_1324, %reduce_max3A_1325 [1] : vector<16x2048xf32> to vector<16xf32>
      %broadcast_in_dim3A_1327 = vector.shape_cast %reduce_max3A_1326 : vector<16xf32> to vector<16x1xf32>
      %eq3A_1328 = vector.broadcast %broadcast_in_dim3A_1327 : vector<16x1xf32> to vector<16x2048xf32>
      %eq3A_1329 = arith.cmpf oeq, %select_n3A_1324, %eq3A_1328 : vector<16x2048xf32>
      %jit3A_1330 = arith.constant 2048 : i32
      %broadcast_in_dim3A_1331 = vector.broadcast %jit3A_1330 : i32 to vector<16x2048xi32>
      %select_n3A_1332 = arith.select %eq3A_1329, %iota3A, %broadcast_in_dim3A_1331 : vector<16x2048xi1>, vector<16x2048xi32>
      %reduce_min3A_1333 = arith.constant dense<2147483647> : vector<16xi32>
      %reduce_min3A_1334 = vector.multi_reduction <minsi>, %select_n3A_1332, %reduce_min3A_1333 [1] : vector<16x2048xi32> to vector<16xi32>
      %broadcast_in_dim3A_1335 = vector.shape_cast %reduce_min3A_1334 : vector<16xi32> to vector<16x1xi32>
      %swap3A_1336 = arith.constant 0 : index
      %swap3A_1337 = arith.constant 62 : index
      %swap3A_1338 = vector.load %arg4[%swap3A_1336, %swap3A_1337] : memref<16x64xi32, #tpu.memory_space<vmem>>, vector<16x1xi32>
      tpu.vector_store %arg4[%swap3A_1336, %swap3A_1337], %broadcast_in_dim3A_1335 {strides = array<i32>} : memref<16x64xi32, #tpu.memory_space<vmem>>, vector<16x1xi32>,
      %eq3A_1339 = vector.broadcast %broadcast_in_dim3A_1335 : vector<16x1xi32> to vector<16x2048xi32>
      %eq3A_1340 = arith.cmpi eq, %iota3A, %eq3A_1339 : vector<16x2048xi32>
      %jit3A_1341 = arith.constant 0xFF800000 : f32
      %broadcast_in_dim3A_1342 = vector.broadcast %jit3A_1341 : f32 to vector<16x2048xf32>
      %select_n3A_1343 = arith.select %eq3A_1340, %broadcast_in_dim3A_1342, %select_n3A_1324 : vector<16x2048xi1>, vector<16x2048xf32>
      %reduce_max3A_1344 = arith.constant dense<0xFF800000> : vector<16xf32>
      %reduce_max3A_1345 = vector.multi_reduction <maximumf>, %select_n3A_1343, %reduce_max3A_1344 [1] : vector<16x2048xf32> to vector<16xf32>
      %broadcast_in_dim3A_1346 = vector.shape_cast %reduce_max3A_1345 : vector<16xf32> to vector<16x1xf32>
      %eq3A_1347 = vector.broadcast %broadcast_in_dim3A_1346 : vector<16x1xf32> to vector<16x2048xf32>
      %eq3A_1348 = arith.cmpf oeq, %select_n3A_1343, %eq3A_1347 : vector<16x2048xf32>
      %jit3A_1349 = arith.constant 2048 : i32
      %broadcast_in_dim3A_1350 = vector.broadcast %jit3A_1349 : i32 to vector<16x2048xi32>
      %select_n3A_1351 = arith.select %eq3A_1348, %iota3A, %broadcast_in_dim3A_1350 : vector<16x2048xi1>, vector<16x2048xi32>
      %reduce_min3A_1352 = arith.constant dense<2147483647> : vector<16xi32>
      %reduce_min3A_1353 = vector.multi_reduction <minsi>, %select_n3A_1351, %reduce_min3A_1352 [1] : vector<16x2048xi32> to vector<16xi32>
      %broadcast_in_dim3A_1354 = vector.shape_cast %reduce_min3A_1353 : vector<16xi32> to vector<16x1xi32>
      %swap3A_1355 = arith.constant 0 : index
      %swap3A_1356 = arith.constant 63 : index
      %swap3A_1357 = vector.load %arg4[%swap3A_1355, %swap3A_1356] : memref<16x64xi32, #tpu.memory_space<vmem>>, vector<16x1xi32>
      tpu.vector_store %arg4[%swap3A_1355, %swap3A_1356], %broadcast_in_dim3A_1354 {strides = array<i32>} : memref<16x64xi32, #tpu.memory_space<vmem>>, vector<16x1xi32>,
    } else {
    }
    return
  }
  func.func @transform_0(%arg0: i32, %arg1: i32) -> (i32, i32, i32) {
    %c0_i32 = arith.constant 0 : i32
    %c0_i32_0 = arith.constant 0 : i32
    return %arg0, %arg1, %c0_i32 : i32, i32, i32
  }
  func.func @transform_1(%arg0: i32, %arg1: i32) -> (i32, i32, i32) {
    %c0_i32 = arith.constant 0 : i32
    %c0_i32_0 = arith.constant 0 : i32
    %c0_i32_1 = arith.constant 0 : i32
    return %arg0, %c0_i32, %c0_i32_0 : i32, i32, i32
  }
  func.func @transform_2(%arg0: i32, %arg1: i32) -> (i32, i32) {
    %c0_i32 = arith.constant 0 : i32
    %c0_i32_0 = arith.constant 0 : i32
    %c0_i32_1 = arith.constant 0 : i32
    return %c0_i32, %c0_i32_0 : i32, i32
  }
}

</mosaic_0001>

<sc_bundles>
// kernel: kernel.4.cloned.1.call-start
scs
__scs_entry_jumppad:
0x0: {  	(pc) =	sbr.rel $0x88, $3  }
0x1: {  	(tag) =	ssettag $0x0;
	lr =	simm.s32 $0x1  }
0x2: {  	[smem:$0x3F9F] =	sst lr;
	_ =	strace $0xD0000000  }
0x3: {  	_ = 	snop  }
0x4: {  	_ = 	snop  }
0x5: {  	_ = 	snop  }
0x6: {  	_ = 	snop  }
0x7: {  	_ = 	snop  }
__scs_overlays_trampoline_lowered:
0x8: {  	[smem:$0x3FAE] =	sst s0  }
0x9: {  	[smem:$0x3FAF] =	sst s1  }
0xa: {  	[smem:$0x3FB0] =	sst s2  }
0xb: {  	[smem:$0x3FB1] =	sst s3  }
0xc: {  	[smem:$0x3FB2] =	sst s4  }
0xd: {  	[smem:$0x3FB3] =	sst s5  }
0xe: {  	[smem:$0x3FB4] =	sst s6  }
0xf: {  	[smem:$0x3FB5] =	sst s7  }
0x10: {  	[smem:$0x3FB6] =	sst s8  }
0x11: {  	[smem:$0x3FB7] =	sst s9;
	s0 =	simm.s32 @!p0 $0x0  }
0x12: {  	s1 =	sld [smem:$0x3F9D];
	s0 =	simm.s32 @p0 $0x1  }
0x13: {  	[smem:$0x3FB8] =	sst s0;
	s0 =	simm.s32 @!p1 $0x0  }
0x14: {  	s2 =	sld [smem:$0x3F9C];
	s0 =	simm.s32 @p1 $0x1  }
0x15: {  	[smem:$0x3FB9] =	sst s0;
	s0 =	simm.s32 @!p2 $0x0  }
0x16: {  	s3 =	sld [smem:$0x3FDB];
	s0 =	simm.s32 @p2 $0x1  }
0x17: {  	s4 =	simm.s32 $0x1BF5;
	[smem:$0x3FBB] =	sst s0  }
0x18: {  	s0 =	sld [smem:$0x3F9E];
	_ =	swait.ge [sflag:s4], $0x0  }
0x19: {  	s7 =	sld [smem:$0x3F9F]  }
0x1a: {  	s8 =	sadd.s32 $0xFFFFE003, lr  }
0x1b: {  	s9 =	sadd.s32 $0xFFFFFEF7, lr;
	s5 =	simm.s32 $0xFFFFFFFF;
	p2 =	slt.u32 s8, $0xFFFFF086  }
0x1c: {  	p1 =	slt.u32 s9, $0xF7A;
	s5 =	simm.s32 @!p2 $0x0  }
0x1d: {  	s5 =	simm.s32 @p1 $0x1;
	p0 =	seq.s32 s7, s2  }
0x1e: {  	s7 =	smul.u32 @!p0 $0xF7A, s2;
	p2 =	seq.s32 @!p0 s5, $0x0  }
0x1f: {  	s9 =	smul.u32 $0xF7A, s1;
	s8 =	simm.s32 @!p0 $0x1BF5;
	p2 =	por !p2, p0  }
0x20: {  	[sflag:s8] =	ssyncset.s32 @!p0 $0xFFFFF086;
	s6 =	sadd.s32 @!p0 s3, s7;
	s7 =	simm.s32 @!p0 $0x108  }
0x21: {  	s3 =	sadd.s32 s3, s9;
	s6 =	sadd.s32 @!p0 $0x88, s6;
	s7 =	simm.s32 @p2 $0x1082  }
0x22: {  	[simem:s7], [sflag:s8] =	dma.local @!p0 [hbm:s6], $0xF7A  }
0x23: {  	s9 =	sor.u32 $0xD0000000, s2;
	s6 =	simm.s32 $0x108;
	_ =	swait.ge @!p0 [sflag:s8], $0x0  }
0x24: {  	s3 =	sadd.s32 $0x88, s3;
	s6 =	simm.s32 @!p1 $0x1082;
	[sflag:s4] =	ssyncset.s32 $0xFFFFF086  }
0x25: {  	[simem:s6], [sflag:s4] =	dma.local [hbm:s3], $0xF7A  }
0x26: {  	[smem:$0x3F9F] =	sst s1;
	(tag) =	ssettag s2;
	_ =	strace s9  }
0x27: {  	s1 =	sld [smem:$0x3FAF]  }
0x28: {  	s2 =	sld [smem:$0x3FB0]  }
0x29: {  	s4 =	sld [smem:$0x3FB2]  }
0x2a: {  	p0 =	seq.s32 s5, $0x0;
	s5 =	sld [smem:$0x3FB3]  }
0x2b: {  	s6 =	sld [smem:$0x3FB4]  }
0x2c: {  	s7 =	sld [smem:$0x3FB5]  }
0x2d: {  	s3 =	simm.s32 $0x108;
	s8 =	sld [smem:$0x3FB6]  }
0x2e: {  	s3 =	simm.s32 @!p0 $0x1082;
	s9 =	sld [smem:$0x3FB7]  }
0x2f: {  	lr =	sadd.s32 s0, s3;
	s0 =	sld [smem:$0x3FAE]  }
0x30: {  	s3 =	sld [smem:$0x3FB1]  }
0x31: {  	[smem:$0x3FBA] =	sst s10  }
0x32: {  	s10 =	sld [smem:$0x3FB8];
	_ =	sdelay $0x3  }
0x33: {  	p0 =	seq.s32 s10, $0x1;
	s10 =	sld [smem:$0x3FBA];
	_ =	sdelay $0x3  }
0x34: {  	[smem:$0x3FBA] =	sst s10  }
0x35: {  	s10 =	sld [smem:$0x3FB9];
	_ =	sdelay $0x3  }
0x36: {  	p1 =	seq.s32 s10, $0x1;
	s10 =	sld [smem:$0x3FBA];
	_ =	sdelay $0x3  }
0x37: {  	[smem:$0x3FBA] =	sst s10  }
0x38: {  	s10 =	sld [smem:$0x3FBB]  }
0x39: {  	_ = 	snop;
	(pc) =	sbr.ind lr, $3  }
0x3a: {  	_ = 	snop  }
0x3b: {  	_ = 	snop  }
0x3c: {  	p2 =	seq.s32 s10, $0x1;
	s10 =	sld [smem:$0x3FBA]  }
0x3d: {  	_ =	shalt  }
0x3e: {  	_ =	shalt  }
0x3f: {  	_ =	shalt  }
0x40: {  	_ =	shalt  }
0x41: {  	_ =	shalt  }
0x42: {  	_ =	shalt  }
0x43: {  	_ =	shalt  }
0x44: {  	_ =	shalt  }
0x45: {  	_ =	shalt  }
0x46: {  	_ =	shalt  }
0x47: {  	_ =	shalt  }
0x48: {  	_ =	shalt  }
0x49: {  	_ =	shalt  }
0x4a: {  	_ =	shalt  }
0x4b: {  	_ =	shalt  }
0x4c: {  	_ =	shalt  }
0x4d: {  	_ =	shalt  }
0x4e: {  	_ =	shalt  }
0x4f: {  	_ =	shalt  }
0x50: {  	_ =	shalt  }
0x51: {  	_ =	shalt  }
0x52: {  	_ =	shalt  }
0x53: {  	_ =	shalt  }
0x54: {  	_ =	shalt  }
0x55: {  	_ =	shalt  }
0x56: {  	_ =	shalt  }
0x57: {  	_ =	shalt  }
0x58: {  	_ =	shalt  }
0x59: {  	_ =	shalt  }
0x5a: {  	_ =	shalt  }
0x5b: {  	_ =	shalt  }
0x5c: {  	_ =	shalt  }
0x5d: {  	_ =	shalt  }
0x5e: {  	_ =	shalt  }
0x5f: {  	_ =	shalt  }
0x60: {  	_ =	shalt  }
0x61: {  	_ =	shalt  }
0x62: {  	_ =	shalt  }
0x63: {  	_ =	shalt  }
0x64: {  	_ =	shalt  }
0x65: {  	_ =	shalt  }
0x66: {  	_ =	shalt  }
0x67: {  	_ =	shalt  }
0x68: {  	_ =	shalt  }
0x69: {  	_ =	shalt  }
0x6a: {  	_ =	shalt  }
0x6b: {  	_ =	shalt  }
0x6c: {  	_ =	shalt  }
0x6d: {  	_ =	shalt  }
0x6e: {  	_ =	shalt  }
0x6f: {  	_ =	shalt  }
0x70: {  	_ =	shalt  }
0x71: {  	_ =	shalt  }
0x72: {  	_ =	shalt  }
0x73: {  	_ =	shalt  }
0x74: {  	_ =	shalt  }
0x75: {  	_ =	shalt  }
0x76: {  	_ =	shalt  }
0x77: {  	_ =	shalt  }
0x78: {  	_ =	shalt  }
0x79: {  	_ =	shalt  }
0x7a: {  	_ =	shalt  }
0x7b: {  	_ =	shalt  }
0x7c: {  	_ =	shalt  }
0x7d: {  	_ =	shalt  }
0x7e: {  	_ =	shalt  }
0x7f: {  	_ =	shalt  }
0x80: {  	_ =	shalt  }
0x81: {  	_ =	shalt  }
0x82: {  	_ =	shalt  }
0x83: {  	_ =	shalt  }
0x84: {  	_ =	shalt  }
0x85: {  	_ =	shalt  }
0x86: {  	_ =	shalt  }
0x87: {  	_ =	shalt  }
.Lfunc_end0:
.L_simem_size_0:
called_computation.1_lowered:
.L_overlay_start_0:
0x88: {  	s2 =	sld [smem:$0x3FD9]  }
0x89: {  	s3 =	sld [smem:$0x3FFE];
	_ =	sdelay $0x1  }
0x8a: {  	s1 =	srdreg.scid  }
0x8b: {  	s0 =	sand.u32 $0x1, s1  }
0x8c: {  	s17 =	sshll.u32 s0, $0xA;
	s2 =	sadd.s32 s3, s2  }
0x8d: {  	s2 =	sadd.s32 s2, s17  }
0x8e: {  	[smem:$0x3FC6] =	sst s2  }
0x8f: {  	_ = 	snop  }
0x90: {  	s2 =	sld [smem:$0x3FD0];
	(tm) =	ssettm $0x1  }
0x91: {  	s18 =	sld [smem:$0x3FFB];
	_ =	sdelay $0x3  }
0x92: {  	_ =	strace s18  }
0x93: {  	s3 =	sld [smem:$0x3FFC];
	_ =	sdelay $0x3  }
0x94: {  	_ =	strace s3  }
0x95: {  	s3 =	sld [smem:$0x3FFD];
	_ =	sdelay $0x3  }
0x96: {  	_ =	strace s3  }
0x97: {  	_ =	strace $0x8FFFFFFF  }
0x98: {  	s19 =	sld [smem:$0x3FDB];
	_ =	sdelay $0x1  }
0x99: {  	s4 =	simm.s32 $_scs_section_size  }
0x9a: {  	s5 =	simm.s32 $_size__tile_overlayer_lowered;
	s6 =	simm.s32 $_tile_overlayer_lowered  }
0x9b: {  	s22 =	simm.s32 $0x1BFF;
	s21 =	sshll.u32 s6, $0x1;
	s3 =	sadd.s32 s4, s19  }
0x9c: {  	s7 =	simm.s32 $0x0;
	s20 =	sshll.u32 s5, $0x1;
	s5 =	sadd.s32 s21, s3  }
0x9d: {  	[timem:s7], [sflag:s22] =	dma.local [hbm:s5], s20  }
0x9e: {  	_ =	swait.ge [sflag:s22], s20  }
0x9f: {  	s4 =	ssub.s32 $0x0, s20;
	[sflag:s22] =	ssyncset.done $0x0  }
0xa0: {  	[sflag:s22] =	ssyncadd.s32 s4;
	_ =	sdelay $0x1  }
0xa1: {  	s23 =	simm.s32 $0x1B8B  }
0xa2: {  	_ =	swait.ge [sflag:s23], $0x1  }
0xa3: {  	[sflag:s23] =	ssyncset.done $0x0  }
0xa4: {  	s25 =	simm.s32 $0x1B8E;
	s24 =	sld [smem:$0x3FFE];
	[sflag:s23] =	ssyncadd.s32 $0xFFFFFFFF  }
0xa5: {  	s26 =	simm.s32 $execute0_lowered;
	[smem:$0x3FD2] =	sst s25  }
0xa6: {  	s5 =	sshll.u32 s26, $0x1;
	_ =	strace $0x80000049;
	[dreg:$0x1] =	wrdreg $0xFFFFFFFF  }
0xa7: {  	s28 =	simm.s32 $_size_execute0_lowered;
	s3 =	sadd.s32 s3, s5;
	[dreg:$0x0] =	wrdreg $0x0  }
0xa8: {  	s5 =	sshll.u32 s28, $0x1;
	[dreg:$0x2] =	wrdreg s3  }
0xa9: {  	[dreg:$0x3] =	wrdreg s5  }
0xaa: {  	[dreg:$0x4] =	wrdreg $0xC0  }
0xab: {  	_ =	task [dreg:s7], $0x5FFFF  }
0xac: {  	[dreg:$0x1] =	wrdreg $0xFFFFFFFF  }
0xad: {  	[dreg:$0x0] =	wrdreg $0x60  }
0xae: {  	[dreg:$0x2] =	wrdreg s24  }
0xaf: {  	[dreg:$0x3] =	wrdreg s2  }
0xb0: {  	[dreg:$0x4] =	wrdreg $0x9  }
0xb1: {  	_ =	task.clear_ibuf [dreg:s7], $0x5FFFF;
	_ =	strace $0x90000049  }
0xb2: {  	s29 =	simm.s32 $0x9;
	_ =	strace $0x8000004B  }
0xb3: {  	_ =	swait.ge [sflag:s29], $0x1  }
0xb4: {  	[sflag:s29] =	ssyncadd.s32 $0xFFFFFFFF  }
0xb5: {  	_ =	strace $0x9000004B  }
0xb6: {  	_ =	sfence  }
0xb7: {  	s30 =	sld [smem:$0x0];
	_ =	sdelay $0x2  }
0xb8: {  	s31 =	sshll.u32 s1, $0xD;
	s1 =	sshrl.u32 s1, $0x2  }
0xb9: {  	s3 =	sand.u32 $0x4000, s31;
	s1 =	sadd.s32 s1, s30  }
0xba: {  	s0 =	sor.u32 s3, s0;
	s1 =	sshll.u32 s1, $0x11  }
0xbb: {  	s0 =	sor.u32 s1, s0  }
0xbc: {  	s0 =	sadd.s32 $0x8F2B, s0  }
0xbd: {  	[sflag:s0] =	ssyncadd.remote.s32 $0x1  }
0xbe: {  	_ =	sfence.sel $0xFFFF  }
0xbf: {  	[dreg:$0x0] =	wrdreg $0xFFFFFFFF;
	(pc) =	sbr.abs _section_cstart, $3  }
0xc0: {  	[dreg:$0x1] =	wrdreg $0xFFFFFFFF  }
0xc1: {  	_ =	task.clear_ibuf [dreg:s7], $0x2FFFF;
	_ =	strace $0x9FFFFFFF  }
0xc2: {  	(tm) =	ssettm $0x7FFFFFFF  }
0xc3: {  	_ =	shalt  }
tec
execute0_lowered:
.L_overlay_start_1:
0x0: {  	(tag) =	ssettag $0x1  }
0x1: {  	s1 =	srdreg.scid;
	s5 =	rddreg [dreg:$0x0]  }
0x2: {  	s0 =	stileid.u32;
	s6 =	rddreg [dreg:$0x1];
	s8 =	sand.u32 $0x1, s1  }
0x3: {  	s3 =	simm.s32 $0x1;
	s2 =	simm.s32 $0x0;
	s1 =	sor.u32 s8, s0  }
0x4: {  	s12 =	simm.s32 $0x8080;
	p1 =	seq.s32 s8, $0x1;
	p0 =	seq.s32 s1, $0x0  }
0x5: {  	s13 =	simm.s32 $0x0;
	[smem:$0x7FF] =	sst s2;
	p0 =	por !p0, !p1  }
0x6: {  	s30 =	sshll.u32 s0, $0x15;
	s29 =	ssub.s32 $0x2, s8;
	p0 =	por !p0, !p0  }
0x7: {  	s11 =	sshll.u32 s8, $0xC;
	s8 =	sshll.u32 s8, $0x14;
	s3 =	simm.s32 @!p0 $0x0  }
0x8: {  	s1 =	rddreg [dreg:$0x2];
	_ =	strace $0x8000004A;
	s7 =	ssub.s32 s0, s3  }
0x9: {  	s10 =	sshrl.u32 s29, $0x1;
	s3 =	sadd.s32 $0xC00, s5;
	s4 =	sshll.u32 s7, $0x4  }
0xa: {  	s7 =	sshll.u32 s7, $0xD;
	s9 =	sand.u32 $0x1FFFFFF0, s4;
	s4 =	simm.s32 $0x1  }
0xb: {  	s5 =	sadd.s32 s9, s5;
	s9 =	ssub.s32 s29, s10;
	s10 =	simm.s32 $0xFFFFFFFF  }
0xc: {  	s7 =	sor.u32 s11, s7;
	s11 =	simm.s32 $0x80;
	s10 =	simm.s32 @!p0 $0x0  }
0xd: {  	s7 =	sand.u32 $0x1FFFF000, s7;
	s5 =	sadd.s32 $0x400C00, s5;
	s10 =	sshll.u32 s10, $0x15  }
0xe: {  	s6 =	sadd.s32 s6, s7;
	s7 =	smax.u32 s9, $0x1;
	s31 =	sadd.s32 s10, s30  }
0xf: {  	s9 =	simm.s32 $0x2;
	s10 =	simm.s32 $0x8000;
	s8 =	sor.u32 s8, s31  }
.LBB2_1:
0x10: {  	[tilespmem:s2], [sflag:$0x2] =	stream.linear.gather [hbm4b:s5+s2], $0x80, $0x38;
	[tilespmem:$0x10080] =	vst v63  }
0x11: {  	_ =	swait.ge [sflag:s9], $0x80  }
0x12: {  	[sflag:s9] =	ssyncset.done $0x0  }
0x13: {  	[sflag:s9] =	ssyncadd.s32 $0xFFFFFF80  }
0x14: {  	v0 =	vld [tilespmem:$0x0];
	_ =	sdelay $0x3  }
0x15: {  	s15 =	sadd.s32 $0x0, s8  }
0x16: {  	s14 =	simm.s32 $0xA0;
	v0 =	vadd.s32 s15, v0  }
0x17: {  	[tilespmem:s14+$0xFFFFFFE0] =	vst v0  }
0x18: {  	v0 =	vld [tilespmem:$0x10];
	_ =	sdelay $0x4  }
0x19: {  	v0 =	vadd.s32 s15, v0  }
0x1a: {  	[tilespmem:s14+$0xFFFFFFF0] =	vst v0  }
0x1b: {  	v0 =	vld [tilespmem:$0x20];
	_ =	sdelay $0x4  }
0x1c: {  	v0 =	vadd.s32 s15, v0  }
0x1d: {  	[tilespmem:s14+$0x0] =	vst v0  }
0x1e: {  	v0 =	vld [tilespmem:$0x30];
	_ =	sdelay $0x4  }
0x1f: {  	v0 =	vadd.s32 s15, v0  }
0x20: {  	[tilespmem:s14+$0x10] =	vst v0  }
0x21: {  	s16 =	simm.s32 $0x1000;
	s15 =	simm.s32 $0x800;
	v0 =	vld [tilespmem:$0x0]  }
.LBB2_2:
0x22: {  	p0 =	sne.s32 s16, $0xFF800;
	_ =	sdelay $0x2  }
0x23: {  	s17 =	sadd.s32 s15, s8;
	s15 =	smov.u32 s16  }
0x24: {  	s14 =	sadd.s32 $0x40, s14;
	v0 =	vadd.s32 s17, v0  }
0x25: {  	[tilespmem:s14+$0xFFFFFFE0] =	vst v0  }
0x26: {  	v0 =	vld [tilespmem:$0x10];
	_ =	sdelay $0x4  }
0x27: {  	v0 =	vadd.s32 s17, v0  }
0x28: {  	[tilespmem:s14+$0xFFFFFFF0] =	vst v0  }
0x29: {  	v0 =	vld [tilespmem:$0x20];
	_ =	sdelay $0x4  }
0x2a: {  	v0 =	vadd.s32 s17, v0  }
0x2b: {  	[tilespmem:s14+$0x0] =	vst v0  }
0x2c: {  	v0 =	vld [tilespmem:$0x30];
	_ =	sdelay $0x2  }
.Ltmp0:
0x2d: {  	(pc) =	sbr.rel @p0 .LBB2_2-.Ltmp0, $4  }
0x2e: {  	_ = 	snop  }
0x2f: {  	v0 =	vadd.s32 s17, v0  }
0x30: {  	[tilespmem:s14+$0x10] =	vst v0  }
0x31: {  	s16 =	sadd.s32 $0x800, s16;
	v0 =	vld [tilespmem:$0x0]  }
0x32: {  	_ =	sdelay $0x2  }
0x33: {  	s15 =	sadd.s32 s15, s8  }
0x34: {  	s14 =	sadd.s32 $0x40, s14;
	v0 =	vadd.s32 s15, v0  }
0x35: {  	[tilespmem:s14+$0xFFFFFFE0] =	vst v0  }
0x36: {  	v0 =	vld [tilespmem:$0x10];
	_ =	sdelay $0x4  }
0x37: {  	v0 =	vadd.s32 s15, v0  }
0x38: {  	[tilespmem:s14+$0xFFFFFFF0] =	vst v0  }
0x39: {  	v0 =	vld [tilespmem:$0x20];
	_ =	sdelay $0x4  }
0x3a: {  	v0 =	vadd.s32 s15, v0  }
0x3b: {  	[tilespmem:s14+$0x0] =	vst v0  }
0x3c: {  	v0 =	vld [tilespmem:$0x30];
	_ =	sdelay $0x4  }
0x3d: {  	v0 =	vadd.s32 s15, v0  }
0x3e: {  	[tilespmem:s14+$0x10] =	vst v0  }
0x3f: {  	[tilespmem:s12], [sflag:$0x1] =	stream.indirect.gather [hbm4b:s3+s10], $0x1, s11, s10, $0xb8;
	[tilespmem:$0x10080] =	vst v63  }
0x40: {  	s13 =	sadd.s32 $0x1, s13;
	_ =	swait.ge [sflag:s4], $0x8000  }
0x41: {  	p0 =	sne.s32 s13, s7;
	[sflag:s4] =	ssyncset.done $0x0  }
.Ltmp1:
0x42: {  	[sflag:s4] =	ssyncadd.s32 $0xFFFF8000;
	(pc) =	sbr.rel @p0 .LBB2_1-.Ltmp1, $4  }
0x43: {  	[hbm4b:s6+s2] =	stream.linear.scatter [tilespmem:s12], [sflag:$0x2], $0x8000, $0x38;
	[tilespmem:$0x10080] =	vst v63  }
0x44: {  	_ =	swait.ge [sflag:s9], $0x8000  }
0x45: {  	[sflag:s9] =	ssyncset.done $0x0  }
0x46: {  	[sflag:s9] =	ssyncadd.s32 $0xFFFF8000  }
0x47: {  	_ =	sfence.sel $0x180000  }
0x48: {  	[bflag:$0x0] =	sbarrier.arrive $0xFFFF  }
0x49: {  	p0 =	sne.s32 s0, $0x0;
	_ =	strace $0x9000004A  }
0x4a: {  	s0 =	sadd.s32 @!p0 $0x100000, s1;
	[bflag:$0x2] =	sbarrier.arrive $0xFFFF  }
0x4b: {  	[sflag:s0] =	ssyncadd.tile.s32 @!p0 $0x1;
	_ =	shalt  }
.Lfunc_end2:
_tile_overlayer_lowered:
.L_overlay_start_2:
0x4c: {  	(tag) =	ssettag $0x2  }
0x4d: {  	s0 =	rddreg [dreg:$0x0];
	s2 =	stileid.u32  }
0x4e: {  	s1 =	rddreg [dreg:$0x1];
	p0 =	sne.s32 s2, $0x0  }
0x4f: {  	s3 =	rddreg [dreg:$0x2];
	[bflag:$0x3] =	sbarrier.arrive $0xFFFF;
	s2 =	simm.s32 @!p0 $0x1C02  }
0x50: {  	[timem:s3], [sflag:s2] =	dma.local @!p0 [hbm:s0], s1  }
0x51: {  	s0 =	simm.s32 @!p0 $0x2  }
0x52: {  	_ =	swait.ge @!p0 [sflag:s0], s1  }
0x53: {  	s1 =	ssub.s32 @!p0 $0x0, s1;
	[sflag:s0] =	ssyncset.done @!p0 $0x0  }
0x54: {  	[sflag:s0] =	ssyncadd.s32 @!p0 s1  }
0x55: {  	[bflag:$0x3] =	sbarrier.arrive $0xFFFF  }
0x56: {  	_ =	shalt  }

// kernel: sparse-core-data-format-call.cloned.1.call-start
scs
called_computation_lowered:
.L_overlay_start_0:
0x0: {  	s2 =	sld [smem:$0x3FD9]  }
0x1: {  	s3 =	sld [smem:$0x3FFE];
	_ =	sdelay $0x1  }
0x2: {  	s1 =	srdreg.scid  }
0x3: {  	s0 =	sand.u32 $0x1, s1  }
0x4: {  	s18 =	sshll.u32 s0, $0xA;
	s2 =	sadd.s32 s3, s2  }
0x5: {  	s2 =	sadd.s32 s2, s18  }
0x6: {  	[smem:$0x3FC6] =	sst s2  }
0x7: {  	_ = 	snop  }
0x8: {  	s2 =	sld [smem:$0x3FC9];
	(tm) =	ssettm $0x1  }
0x9: {  	s19 =	sld [smem:$0x3FFB];
	_ =	sdelay $0x3  }
0xa: {  	_ =	strace s19  }
0xb: {  	s3 =	sld [smem:$0x3FFC];
	_ =	sdelay $0x3  }
0xc: {  	_ =	strace s3  }
0xd: {  	s3 =	sld [smem:$0x3FFD];
	_ =	sdelay $0x3  }
0xe: {  	_ =	strace s3  }
0xf: {  	_ =	strace $0x8FFFFFFF  }
0x10: {  	s20 =	sld [smem:$0x3FDB];
	_ =	sdelay $0x1  }
0x11: {  	s4 =	simm.s32 $_scs_section_size  }
0x12: {  	s5 =	simm.s32 $_size__tile_overlayer_lowered;
	s6 =	simm.s32 $_tile_overlayer_lowered  }
0x13: {  	s23 =	simm.s32 $0x1BFF;
	s22 =	sshll.u32 s6, $0x1;
	s3 =	sadd.s32 s4, s20  }
0x14: {  	s7 =	simm.s32 $0x0;
	s21 =	sshll.u32 s5, $0x1;
	s5 =	sadd.s32 s22, s3  }
0x15: {  	[timem:s7], [sflag:s23] =	dma.local [hbm:s5], s21  }
0x16: {  	_ =	swait.ge [sflag:s23], s21  }
0x17: {  	s4 =	ssub.s32 $0x0, s21;
	[sflag:s23] =	ssyncset.done $0x0  }
0x18: {  	[sflag:s23] =	ssyncadd.s32 s4;
	_ =	sdelay $0x1  }
0x19: {  	s24 =	simm.s32 $0x1B8B  }
0x1a: {  	_ =	swait.ge [sflag:s24], $0x1  }
0x1b: {  	[sflag:s24] =	ssyncset.done $0x0  }
0x1c: {  	s26 =	simm.s32 $0x1B8E;
	s25 =	sld [smem:$0x3FFE];
	[sflag:s24] =	ssyncadd.s32 $0xFFFFFFFF  }
0x1d: {  	s27 =	simm.s32 $execute0_lowered;
	[smem:$0x3FD2] =	sst s26  }
0x1e: {  	s5 =	sshll.u32 s27, $0x1;
	_ =	strace $0x80000046;
	[dreg:$0x1] =	wrdreg $0xFFFFFFFF  }
0x1f: {  	s28 =	simm.s32 $_size_execute0_lowered;
	s3 =	sadd.s32 s3, s5;
	[dreg:$0x0] =	wrdreg $0x0  }
0x20: {  	s5 =	sshll.u32 s28, $0x1;
	[dreg:$0x2] =	wrdreg s3  }
0x21: {  	[dreg:$0x3] =	wrdreg s5  }
0x22: {  	[dreg:$0x4] =	wrdreg $0xC0  }
0x23: {  	_ =	task [dreg:s7], $0x5FFFF  }
0x24: {  	[dreg:$0x1] =	wrdreg $0xFFFFFFFF  }
0x25: {  	[dreg:$0x0] =	wrdreg $0x60  }
0x26: {  	[dreg:$0x2] =	wrdreg s2  }
0x27: {  	[dreg:$0x3] =	wrdreg s25  }
0x28: {  	[dreg:$0x4] =	wrdreg $0x9  }
0x29: {  	_ =	task.clear_ibuf [dreg:s7], $0x5FFFF;
	_ =	strace $0x90000046  }
0x2a: {  	s29 =	simm.s32 $0x9;
	_ =	strace $0x80000048  }
0x2b: {  	_ =	swait.ge [sflag:s29], $0x1  }
0x2c: {  	[sflag:s29] =	ssyncadd.s32 $0xFFFFFFFF  }
0x2d: {  	_ =	strace $0x90000048  }
0x2e: {  	_ =	sfence  }
0x2f: {  	s30 =	sld [smem:$0x0];
	_ =	sdelay $0x2  }
0x30: {  	s31 =	sshll.u32 s1, $0xD;
	s1 =	sshrl.u32 s1, $0x2  }
0x31: {  	s3 =	sand.u32 $0x4000, s31;
	s1 =	sadd.s32 s1, s30  }
0x32: {  	s0 =	sor.u32 s3, s0;
	s1 =	sshll.u32 s1, $0x11  }
0x33: {  	s0 =	sor.u32 s1, s0  }
0x34: {  	s0 =	sadd.s32 $0x8F2B, s0  }
0x35: {  	[sflag:s0] =	ssyncadd.remote.s32 $0x1  }
0x36: {  	_ =	sfence.sel $0xFFFF  }
0x37: {  	[dreg:$0x0] =	wrdreg $0xFFFFFFFF;
	(pc) =	sbr.abs _section_cstart, $3  }
0x38: {  	[dreg:$0x1] =	wrdreg $0xFFFFFFFF  }
0x39: {  	_ =	task.clear_ibuf [dreg:s7], $0x2FFFF;
	_ =	strace $0x9FFFFFFF  }
0x3a: {  	(tm) =	ssettm $0x7FFFFFFF  }
0x3b: {  	_ =	shalt  }
tec
execute0_lowered:
.L_overlay_start_1:
0x0: {  	(tag) =	ssettag $0x1  }
0x1: {  	s2 =	rddreg [dreg:$0x0]  }
0x2: {  	s1 =	rddreg [dreg:$0x1]  }
0x3: {  	s0 =	rddreg [dreg:$0x2];
	_ =	strace $0x80000047;
	s4 =	srdreg.scid  }
.Ltmp0:
0x4: {  	s6 =	simm.s32 $0x2;
	p0 =	por $0x0, $0x0;
	(pc) =	sbr.rel .LBB1_1-.Ltmp0, $4  }
0x5: {  	s9 =	simm.s32 $0x0;
	s3 =	sadd.s32 $0xC00, s1;
	s5 =	sshll.u32 s4, $0x4  }
0x6: {  	s1 =	stileid.u32;
	s4 =	simm.s32 $0x1;
	s5 =	sand.u32 $0x10, s5  }
0x7: {  	s7 =	simm.s32 $0x0;
	[sflag:s4] =	ssyncpa.u1 $0x0;
	s5 =	sor.u32 s1, s5  }
0x8: {  	[sflag:s6] =	ssyncpa.u1 $0x0;
	s6 =	simm.s32 $0x0;
	s8 =	smov.u32 s5  }
.LBB1_7:
0x9: {  	s11 =	sadd.s32 $0x20, s8  }
0xa: {  	p1 =	slt.u32 s7, $0x2;
	s7 =	sadd.s32 $0x1, s7;
	p2 =	sgt.s32 s11, $0x7FF  }
0xb: {  	s11 =	smov.u32 @p2 s5;
	p2 =	sne.s32 s7, $0x42  }
.Ltmp1:
0xc: {  	_ = 	snop;
	(pc) =	sbr.rel @!p2 .LBB1_8-.Ltmp1, $4  }
0xd: {  	s10 =	simm.s32 @!p1 $0x2  }
0xe: {  	_ =	swait.ge @!p1 [sflag:s10], $0x4000  }
0xf: {  	s9 =	smov.u32 s8;
	[sflag:s10] =	ssyncset.done @!p1 $0x0  }
0x10: {  	p0 =	por !p0, !p0;
	s8 =	smov.u32 s11;
	[sflag:s10] =	ssyncadd.s32 @!p1 $0xFFFFC000  }
.LBB1_1:
0x11: {  	p1 =	sgt.u32 s7, $0x3F  }
0x12: {  	s10 =	sxor.u32 @!p1 $0xFFFFFFFF, s7  }
0x13: {  	s11 =	sshll.u32 @!p1 s8, $0xB;
	s10 =	sshll.u32 @!p1 s10, $0xE  }
0x14: {  	s12 =	simm.s32 @!p1 $0x0;
	s11 =	sadd.s32 @!p1 s2, s11;
	s10 =	sand.u32 @!p1 $0x4000, s10  }
0x15: {  	[tilespmem:s10], [sflag:$0x1] =	stream.linear.gather @!p1 [hbm4b:s11+s12], $0x4000, $0x38;
	[tilespmem:$0x10000] =	vst v63  }
0x16: {  	p1 =	seq.s32 s7, $0x0  }
0x17: {  	p2 =	seq.s32 @!p1 s7, $0x41  }
0x18: {  	p1 =	por p1, p2  }
.Ltmp2:
0x19: {  	_ = 	snop;
	(pc) =	sbr.rel @p1 .LBB1_7-.Ltmp2, $1  }
0x1a: {  	_ =	sdelay $0x3  }
0x1b: {  	s10 =	simm.s32 $0x1;
	_ =	swait.ge [sflag:s4], $0x4000;
	s12 =	sshll.u32 s7, $0xE  }
0x1c: {  	s13 =	simm.s32 $0x0;
	s10 =	simm.s32 @!p0 $0x0;
	[sflag:s4] =	ssyncset.done $0x0  }
0x1d: {  	s12 =	sand.u32 $0x4000, s12;
	s11 =	sshll.u32 s10, $0xE;
	[sflag:s4] =	ssyncadd.s32 $0xFFFFC000  }
0x1e: {  	s12 =	sor.u32 $0x8000, s12;
	s10 =	sor.u32 $0x8040, s11;
	s11 =	sor.u32 $0x40, s11  }
.LBB1_3:
0x1f: {  	v0 =	vmov s11;
	_ =	sdelay $0x3  }
0x20: {  	s15 =	simm.s32 $0x0  }
0x21: {  	v6 =	vld.idx.msk [tilespmem:v0+s15+$0x30 ss:$0x1], $0xffff  }
0x22: {  	v7 =	vld.idx.msk [tilespmem:v0+s15+$0xFFFFFFC0 ss:$0x1], $0xffff  }
0x23: {  	v5 =	vld.idx.msk [tilespmem:v0+s15+$0xFFFFFFD0 ss:$0x1], $0xffff  }
0x24: {  	v4 =	vld.idx.msk [tilespmem:v0+s15+$0xFFFFFFE0 ss:$0x1], $0xffff  }
0x25: {  	v3 =	vld.idx.msk [tilespmem:v0+s15+$0xFFFFFFF0 ss:$0x1], $0xffff  }
0x26: {  	v1 =	vld.idx.msk [tilespmem:v0+s15+$0x0 ss:$0x1], $0xffff  }
0x27: {  	v2 =	vld.idx.msk [tilespmem:v0+s15+$0x10 ss:$0x1], $0xffff;
	[tilespmem:s10+$0x30] =	vst v6  }
0x28: {  	s14 =	simm.s32 $0x80;
	s16 =	simm.s32 $0x400;
	[tilespmem:s10+$0xFFFFFFC0] =	vst v7;
	v6 =	vld.idx.msk [tilespmem:v0+s15+$0x20 ss:$0x1], $0xffff;
	s15 =	smov.u32 s10  }
.LBB1_4:
0x29: {  	p1 =	sne.s32 s16, $0xE00;
	v7 =	vld.idx.msk [tilespmem:v0+s14+$0x30 ss:$0x1], $0xffff;
	[tilespmem:s15+$0xFFFFFFD0] =	vst v5  }
0x2a: {  	v8 =	vld.idx.msk [tilespmem:v0+s14+$0xFFFFFFC0 ss:$0x1], $0xffff;
	[tilespmem:s15+$0xFFFFFFE0] =	vst v4  }
0x2b: {  	v5 =	vld.idx.msk [tilespmem:v0+s14+$0xFFFFFFD0 ss:$0x1], $0xffff;
	[tilespmem:s15+$0xFFFFFFF0] =	vst v3  }
.Ltmp3:
0x2c: {  	v4 =	vld.idx.msk [tilespmem:v0+s14+$0xFFFFFFE0 ss:$0x1], $0xffff;
	[tilespmem:s15+$0x0] =	vst v1;
	(pc) =	sbr.rel @p1 .LBB1_4-.Ltmp3, $4  }
0x2d: {  	v3 =	vld.idx.msk [tilespmem:v0+s14+$0xFFFFFFF0 ss:$0x1], $0xffff;
	[tilespmem:s15+$0x10] =	vst v2  }
0x2e: {  	v1 =	vld.idx.msk [tilespmem:v0+s14+$0x0 ss:$0x1], $0xffff;
	[tilespmem:s15+$0x20] =	vst v6;
	s15 =	sadd.s32 $0x800, s15  }
0x2f: {  	v2 =	vld.idx.msk [tilespmem:v0+s14+$0x10 ss:$0x1], $0xffff;
	[tilespmem:s15+$0x30] =	vst v7  }
0x30: {  	[tilespmem:s15+$0xFFFFFFC0] =	vst v8;
	v6 =	vld.idx.msk [tilespmem:v0+s14+$0x20 ss:$0x1], $0xffff;
	s14 =	sshra.s32 s16, $0x2;
	s16 =	sadd.s32 $0x200, s16  }
0x31: {  	_ =	sdelay $0x2  }
0x32: {  	[tilespmem:s15+$0xFFFFFFD0] =	vst v5  }
0x33: {  	v56 =	vld.idx.msk [tilespmem:v0+s14+$0x30 ss:$0x1], $0xffff;
	[tilespmem:s15+$0xFFFFFFE0] =	vst v4  }
0x34: {  	v57 =	vld.idx.msk [tilespmem:v0+s14+$0xFFFFFFC0 ss:$0x1], $0xffff;
	[tilespmem:s15+$0xFFFFFFF0] =	vst v3  }
0x35: {  	v58 =	vld.idx.msk [tilespmem:v0+s14+$0xFFFFFFD0 ss:$0x1], $0xffff;
	[tilespmem:s15+$0x0] =	vst v1  }
0x36: {  	v59 =	vld.idx.msk [tilespmem:v0+s14+$0xFFFFFFE0 ss:$0x1], $0xffff;
	[tilespmem:s15+$0x10] =	vst v2  }
0x37: {  	v60 =	vld.idx.msk [tilespmem:v0+s14+$0xFFFFFFF0 ss:$0x1], $0xffff;
	s31 =	sadd.s32 $0x800, s15;
	[tilespmem:s15+$0x20] =	vst v6  }
0x38: {  	v61 =	vld.idx.msk [tilespmem:v0+s14+$0x0 ss:$0x1], $0xffff;
	[tilespmem:s31+$0x30] =	vst v56  }
0x39: {  	v62 =	vld.idx.msk [tilespmem:v0+s14+$0x10 ss:$0x1], $0xffff;
	s13 =	sadd.s32 $0x1, s13;
	[tilespmem:s31+$0xFFFFFFC0] =	vst v57  }
0x3a: {  	v63 =	vld.idx.msk [tilespmem:v0+s14+$0x20 ss:$0x1], $0xffff;
	p1 =	sne.s32 s13, $0x10;
	[tilespmem:s31+$0xFFFFFFD0] =	vst v58  }
.Ltmp4:
0x3b: {  	[tilespmem:s31+$0xFFFFFFE0] =	vst v59;
	(pc) =	sbr.rel @p1 .LBB1_3-.Ltmp4, $4  }
0x3c: {  	[tilespmem:s31+$0xFFFFFFF0] =	vst v60  }
0x3d: {  	[tilespmem:s31+$0x0] =	vst v61  }
0x3e: {  	[tilespmem:s31+$0x10] =	vst v62  }
0x3f: {  	s10 =	sadd.s32 $0x80, s10;
	s11 =	sadd.s32 $0x400, s11;
	[tilespmem:s31+$0x20] =	vst v63  }
.Ltmp5:
0x40: {  	(pc) =	sbr.rel .LBB1_7-.Ltmp5, $4  }
0x41: {  	_ = 	snop  }
0x42: {  	s9 =	sshll.u32 s9, $0xB  }
0x43: {  	s9 =	sadd.s32 s3, s9  }
0x44: {  	[hbm4b:s9+s6] =	stream.linear.scatter [tilespmem:s12], [sflag:$0x2], $0x4000, $0x38;
	[tilespmem:$0x10000] =	vst v63  }
.LBB1_8:
0x45: {  	_ =	sfence.sel $0x180000  }
0x46: {  	s2 =	simm.s32 $0x1;
	[bflag:$0x0] =	sbarrier.arrive $0xFFFF  }
0x47: {  	s31 =	simm.s32 $0x2;
	[sflag:s2] =	ssyncpa.u1 $0x1  }
0x48: {  	[sflag:s31] =	ssyncpa.u1 $0x1  }
0x49: {  	p0 =	sne.s32 s1, $0x0;
	_ =	strace $0x90000047  }
0x4a: {  	s0 =	sadd.s32 @!p0 $0x100000, s0;
	[bflag:$0x2] =	sbarrier.arrive $0xFFFF  }
0x4b: {  	[sflag:s0] =	ssyncadd.tile.s32 @!p0 $0x1;
	_ =	shalt  }
.Lfunc_end1:
_tile_overlayer_lowered:
.L_overlay_start_2:
0x4c: {  	(tag) =	ssettag $0x2  }
0x4d: {  	s0 =	rddreg [dreg:$0x0];
	s2 =	stileid.u32  }
0x4e: {  	s1 =	rddreg [dreg:$0x1];
	p0 =	sne.s32 s2, $0x0  }
0x4f: {  	s3 =	rddreg [dreg:$0x2];
	[bflag:$0x3] =	sbarrier.arrive $0xFFFF;
	s2 =	simm.s32 @!p0 $0x1C01  }
0x50: {  	[timem:s3], [sflag:s2] =	dma.local @!p0 [hbm:s0], s1  }
0x51: {  	s0 =	simm.s32 @!p0 $0x1  }
0x52: {  	_ =	swait.ge @!p0 [sflag:s0], s1  }
0x53: {  	s1 =	ssub.s32 @!p0 $0x0, s1;
	[sflag:s0] =	ssyncset.done @!p0 $0x0  }
0x54: {  	[sflag:s0] =	ssyncadd.s32 @!p0 s1  }
0x55: {  	[bflag:$0x3] =	sbarrier.arrive $0xFFFF  }
0x56: {  	_ =	shalt  }

</sc_bundles>
